<compile_context>
chip_gen: v7x
topology: tpu7x:2x2x1
jax: 0.10.2.dev20260603
libtpu: 0.0.44.dev20260713+nightly
codegen_flags: <defaults>
</compile_context>

<pallas_src>
import functools

import jax
import jax.numpy as jnp
from jax import lax
from jax.experimental import pallas as pl
from jax.experimental.pallas import tpu as pltpu
from jax.experimental.pallas import tpu_sc as plsc

B, C, T, K = 64, 256, 2048, 32

L = 16
NBUF = 3
ROWS_PER_CHUNK = 16
NUM_CHUNKS = B // ROWS_PER_CHUNK


def _selector_dup_kernel(x_hbm, alpha_hbm, z_hbm, w_hbm, w2_hbm,
                         arow_v, wrow_v,
                         buf0, buf1, buf2,
                         gsem0, gsem1, gsem2,
                         ssem0, ssem1, ssem2, wsem):
    nc = 2
    wid = lax.axis_index("s") * nc + lax.axis_index("c")

    pltpu.sync_copy(alpha_hbm.at[wid], arow_v)
    iota = lax.iota(jnp.int32, L)
    best_v = arow_v[pl.ds(0, L)]
    best_i = iota
    for j in range(1, C // L):
        v = arow_v[pl.ds(j * L, L)]
        pos = iota + j * L
        upd = v > best_v
        best_v = jnp.where(upd, v, best_v)
        best_i = jnp.where(upd, pos, best_i)
    sk, _ = plsc.sort_key_val(best_v, best_i)
    m = sk[15]
    cand = jnp.where(best_v == m, best_i, jnp.int32(C))
    ck_sorted, _ = plsc.sort_key_val(cand, cand)
    c_k = ck_sorted[0]

    bufs = (buf0, buf1, buf2)
    gsems = (gsem0, gsem1, gsem2)
    ssems = (ssem0, ssem1, ssem2)

    def gidx(ch):
        return (iota + ch * ROWS_PER_CHUNK) * C + c_k

    def sidx(ch):
        return (iota + ch * ROWS_PER_CHUNK) * K + wid

    def gather(ch):
        return pltpu.async_copy(x_hbm.at[gidx(ch)], bufs[ch % NBUF],
                                gsems[ch % NBUF])

    gathers = [None] * NUM_CHUNKS
    scatters = [None] * NUM_CHUNKS
    for ch in range(NBUF - 1):
        gathers[ch] = gather(ch)

    for j in range(C // L):
        pos = iota + j * L
        wrow_v[pl.ds(j * L, L)] = jnp.where(pos == c_k, 1.0, 0.0).astype(
            jnp.float32)
    wcopy1 = pltpu.async_copy(wrow_v, w_hbm.at[wid], wsem)
    wcopy2 = pltpu.async_copy(wrow_v, w2_hbm.at[wid], wsem)

    for ch in range(NUM_CHUNKS):
        nxt = ch + NBUF - 1
        if nxt < NUM_CHUNKS:
            if ch >= 1:
                scatters[ch - 1].wait()
            gathers[nxt] = gather(nxt)
        gathers[ch].wait()
        scatters[ch] = pltpu.async_copy(
            bufs[ch % NBUF], z_hbm.at[sidx(ch)], ssems[ch % NBUF])
    for ch in range(max(0, NUM_CHUNKS - NBUF), NUM_CHUNKS):
        scatters[ch].wait()
    wcopy1.wait()
    wcopy2.wait()


@jax.jit
def _run(x_flat, alpha):
    mesh = plsc.VectorSubcoreMesh(core_axis_name="c", subcore_axis_name="s")
    fn = functools.partial(
        pl.kernel, mesh=mesh,
        compiler_params=pltpu.CompilerParams(needs_layout_passes=False),
        out_type=[
            jax.ShapeDtypeStruct((B * K, T), jnp.float32),
            jax.ShapeDtypeStruct((K, C), jnp.float32),
            jax.ShapeDtypeStruct((K, C), jnp.float32),
        ],
        scratch_types=(
            [pltpu.VMEM((C,), jnp.float32)] * 2
            + [pltpu.VMEM((ROWS_PER_CHUNK, T), jnp.float32)] * NBUF
            + [pltpu.SemaphoreType.DMA] * (2 * NBUF + 1)
        ),
    )(_selector_dup_kernel)
    return fn(x_flat, alpha)


def kernel(x, alpha):
    z_flat, w_hard, w_hard2 = _run(x.reshape(B * C, T), alpha)
    return (z_flat.reshape(B, 1, K, T), w_hard, w_hard2)

# --- scband reference (transcript-rebuilt; emitter-appended) ---
"""Pipeline reference for scband-concrete-multi-selector-dup-1537598292277 (READ-ONLY COPY).

The authoritative reference and input builder live on the scoring server;
editing this copy changes nothing except your own understanding.
"""

import jax, jax.numpy as jnp
import numpy as np

B, C, T, K = 64, 256, 2048, 32

def setup_inputs(seed: int = 0) -> dict:
    key = jax.random.key(seed)
    k1, k2 = jax.random.split(key)
    x = jax.random.normal(k1, (B, 1, C, T), dtype=jnp.float32)
    # learned selector logits alpha [K, C], init uniform(-0.01, 0.01) as in nn.init.uniform_
    alpha = jax.random.uniform(k2, (K, C), minval=-0.01, maxval=0.01, dtype=jnp.float32)
    return {"x": x, "alpha": alpha}

def reference(x, alpha):
    # Eval-mode forward of ConcreteMultiSelectorDup:
    #   idx = argmax(alpha, dim=1); W_hard = one-hot rows; z = x[:, :, idx, :]
    Kk, Cc = alpha.shape
    idx = jnp.argmax(alpha, axis=1)
    W_hard = jnp.zeros((Kk, Cc), dtype=x.dtype).at[jnp.arange(Kk), idx].set(1.0)
    z = x[:, :, idx, :]
    return (z, W_hard, W_hard)

if __name__ == "__main__":
    import jax
    _d = setup_inputs()
    print(jax.jit(kernel)(*tuple(_d.values())))

</pallas_src>

<mosaic_0001>
#map = affine_map<(d0, d1) -> (0, 0)>
module attributes {stable_mosaic.version = 14 : i64} {
  func.func @_selector_dup_kernel(%arg0: i32, %arg1: i32, %arg2: memref<16384x2048xf32, #tpu.memory_space<hbm>>, %arg3: memref<32x256xf32, #tpu.memory_space<hbm>>, %arg4: memref<2048x2048xf32, #tpu.memory_space<hbm>>, %arg5: memref<32x256xf32, #tpu.memory_space<hbm>>, %arg6: memref<32x256xf32, #tpu.memory_space<hbm>>, %arg7: memref<256xf32, #tpu.memory_space<vmem>>, %arg8: memref<256xf32, #tpu.memory_space<vmem>>, %arg9: memref<16x2048xf32, #tpu.memory_space<vmem>>, %arg10: memref<16x2048xf32, #tpu.memory_space<vmem>>, %arg11: memref<16x2048xf32, #tpu.memory_space<vmem>>, %arg12: memref<!tpu.dma_semaphore, #tpu.memory_space<semaphore_mem>>, %arg13: memref<!tpu.dma_semaphore, #tpu.memory_space<semaphore_mem>>, %arg14: memref<!tpu.dma_semaphore, #tpu.memory_space<semaphore_mem>>, %arg15: memref<!tpu.dma_semaphore, #tpu.memory_space<semaphore_mem>>, %arg16: memref<!tpu.dma_semaphore, #tpu.memory_space<semaphore_mem>>, %arg17: memref<!tpu.dma_semaphore, #tpu.memory_space<semaphore_mem>>, %arg18: memref<!tpu.dma_semaphore, #tpu.memory_space<semaphore_mem>>) attributes {dimension_semantics = [#tpu.dimension_semantics<core_parallel>, #tpu.dimension_semantics<subcore_parallel>], iteration_bounds = array<i64: 2, 16>, scalar_prefetch = 0 : i64, scratch_operands = 12 : i64, tpu.core_type = #tpu.core_type<sc_vector_subcore>, window_params = [{transform_indices = #map}, {transform_indices = #map}, {transform_indices = #map}, {transform_indices = #map}, {transform_indices = #map}]} {
    %mul3A = arith.constant 2 : i32
    %mul3A_0 = arith.muli %arg1, %mul3A : i32
    %add3A = arith.addi %mul3A_0, %arg0 : i32
    "tpu.region"() ({
      %run_scoped3A = tpu.sem_alloc : memref<!tpu.dma_semaphore, #tpu.memory_space<semaphore_mem>>
      %dma_start3A_460 = arith.constant 0 : i32
      %dma_start3A_461 = tpu.memref_slice %arg3[%add3A, %dma_start3A_460] : memref<32x256xf32, #tpu.memory_space<hbm>> -> memref<1x256xf32, #tpu.memory_space<hbm>>
      %dma_start3A_462 = tpu.memref_squeeze %dma_start3A_461 : memref<1x256xf32, #tpu.memory_space<hbm>> -> memref<256xf32, #tpu.memory_space<hbm>>
      %dma_start3A_463 = arith.constant 0 : i32
      %dma_start3A_464 = tpu.memref_slice %arg3[%add3A, %dma_start3A_463] : memref<32x256xf32, #tpu.memory_space<hbm>> -> memref<1x256xf32, #tpu.memory_space<hbm>>
      %dma_start3A_465 = tpu.memref_squeeze %dma_start3A_464 : memref<1x256xf32, #tpu.memory_space<hbm>> -> memref<256xf32, #tpu.memory_space<hbm>>
      tpu.enqueue_dma source(%dma_start3A_465 : memref<256xf32, #tpu.memory_space<hbm>>) target(%arg7 : memref<256xf32, #tpu.memory_space<vmem>>) target_semaphore(%run_scoped3A : memref<!tpu.dma_semaphore, #tpu.memory_space<semaphore_mem>>)
      %dma_wait3A_466 = arith.constant 0 : i32
      %dma_wait3A_467 = tpu.memref_slice %arg3[%add3A, %dma_wait3A_466] : memref<32x256xf32, #tpu.memory_space<hbm>> -> memref<1x256xf32, #tpu.memory_space<hbm>>
      %dma_wait3A_468 = tpu.memref_squeeze %dma_wait3A_467 : memref<1x256xf32, #tpu.memory_space<hbm>> -> memref<256xf32, #tpu.memory_space<hbm>>
      %dma_wait3A_469 = arith.constant 0 : i32
      %dma_wait3A_470 = tpu.memref_slice %arg3[%add3A, %dma_wait3A_469] : memref<32x256xf32, #tpu.memory_space<hbm>> -> memref<1x256xf32, #tpu.memory_space<hbm>>
      %dma_wait3A_471 = tpu.memref_squeeze %dma_wait3A_470 : memref<1x256xf32, #tpu.memory_space<hbm>> -> memref<256xf32, #tpu.memory_space<hbm>>
      tpu.wait_dma2 semaphore(%run_scoped3A : memref<!tpu.dma_semaphore, #tpu.memory_space<semaphore_mem>>) src(%dma_wait3A_471 : memref<256xf32, #tpu.memory_space<hbm>>) dst(%arg7 : memref<256xf32, #tpu.memory_space<vmem>>)
      tpu.yield
    }) : () -> ()
    %iota3A = tpu.iota {dimensions = array<i32: 0>} : vector<16xi32>
    %get3A = arith.constant 0 : index
    %get3A_1 = tpu.vector_load %arg7[%get3A] {strides = array<i32>} : memref<256xf32, #tpu.memory_space<vmem>>, vector<16xf32>,
    %get3A_2 = arith.constant 16 : index
    %get3A_3 = tpu.vector_load %arg7[%get3A_2] {strides = array<i32>} : memref<256xf32, #tpu.memory_space<vmem>>, vector<16xf32>,
    %add3A_4 = arith.constant 16 : i32
    %add3A_5 = vector.broadcast %add3A_4 : i32 to vector<16xi32>
    %add3A_6 = arith.addi %iota3A, %add3A_5 : vector<16xi32>
    %gt3A = arith.cmpf ogt, %get3A_3, %get3A_1 : vector<16xf32>
    %select_n3A = arith.select %gt3A, %get3A_3, %get3A_1 : vector<16xi1>, vector<16xf32>
    %select_n3A_7 = arith.select %gt3A, %add3A_6, %iota3A : vector<16xi1>, vector<16xi32>
    %get3A_8 = arith.constant 32 : index
    %get3A_9 = tpu.vector_load %arg7[%get3A_8] {strides = array<i32>} : memref<256xf32, #tpu.memory_space<vmem>>, vector<16xf32>,
    %add3A_10 = arith.constant 32 : i32
    %add3A_11 = vector.broadcast %add3A_10 : i32 to vector<16xi32>
    %add3A_12 = arith.addi %iota3A, %add3A_11 : vector<16xi32>
    %gt3A_13 = arith.cmpf ogt, %get3A_9, %select_n3A : vector<16xf32>
    %select_n3A_14 = arith.select %gt3A_13, %get3A_9, %select_n3A : vector<16xi1>, vector<16xf32>
    %select_n3A_15 = arith.select %gt3A_13, %add3A_12, %select_n3A_7 : vector<16xi1>, vector<16xi32>
    %get3A_16 = arith.constant 48 : index
    %get3A_17 = tpu.vector_load %arg7[%get3A_16] {strides = array<i32>} : memref<256xf32, #tpu.memory_space<vmem>>, vector<16xf32>,
    %add3A_18 = arith.constant 48 : i32
    %add3A_19 = vector.broadcast %add3A_18 : i32 to vector<16xi32>
    %add3A_20 = arith.addi %iota3A, %add3A_19 : vector<16xi32>
    %gt3A_21 = arith.cmpf ogt, %get3A_17, %select_n3A_14 : vector<16xf32>
    %select_n3A_22 = arith.select %gt3A_21, %get3A_17, %select_n3A_14 : vector<16xi1>, vector<16xf32>
    %select_n3A_23 = arith.select %gt3A_21, %add3A_20, %select_n3A_15 : vector<16xi1>, vector<16xi32>
    %get3A_24 = arith.constant 64 : index
    %get3A_25 = tpu.vector_load %arg7[%get3A_24] {strides = array<i32>} : memref<256xf32, #tpu.memory_space<vmem>>, vector<16xf32>,
    %add3A_26 = arith.constant 64 : i32
    %add3A_27 = vector.broadcast %add3A_26 : i32 to vector<16xi32>
    %add3A_28 = arith.addi %iota3A, %add3A_27 : vector<16xi32>
    %gt3A_29 = arith.cmpf ogt, %get3A_25, %select_n3A_22 : vector<16xf32>
    %select_n3A_30 = arith.select %gt3A_29, %get3A_25, %select_n3A_22 : vector<16xi1>, vector<16xf32>
    %select_n3A_31 = arith.select %gt3A_29, %add3A_28, %select_n3A_23 : vector<16xi1>, vector<16xi32>
    %get3A_32 = arith.constant 80 : index
    %get3A_33 = tpu.vector_load %arg7[%get3A_32] {strides = array<i32>} : memref<256xf32, #tpu.memory_space<vmem>>, vector<16xf32>,
    %add3A_34 = arith.constant 80 : i32
    %add3A_35 = vector.broadcast %add3A_34 : i32 to vector<16xi32>
    %add3A_36 = arith.addi %iota3A, %add3A_35 : vector<16xi32>
    %gt3A_37 = arith.cmpf ogt, %get3A_33, %select_n3A_30 : vector<16xf32>
    %select_n3A_38 = arith.select %gt3A_37, %get3A_33, %select_n3A_30 : vector<16xi1>, vector<16xf32>
    %select_n3A_39 = arith.select %gt3A_37, %add3A_36, %select_n3A_31 : vector<16xi1>, vector<16xi32>
    %get3A_40 = arith.constant 96 : index
    %get3A_41 = tpu.vector_load %arg7[%get3A_40] {strides = array<i32>} : memref<256xf32, #tpu.memory_space<vmem>>, vector<16xf32>,
    %add3A_42 = arith.constant 96 : i32
    %add3A_43 = vector.broadcast %add3A_42 : i32 to vector<16xi32>
    %add3A_44 = arith.addi %iota3A, %add3A_43 : vector<16xi32>
    %gt3A_45 = arith.cmpf ogt, %get3A_41, %select_n3A_38 : vector<16xf32>
    %select_n3A_46 = arith.select %gt3A_45, %get3A_41, %select_n3A_38 : vector<16xi1>, vector<16xf32>
    %select_n3A_47 = arith.select %gt3A_45, %add3A_44, %select_n3A_39 : vector<16xi1>, vector<16xi32>
    %get3A_48 = arith.constant 112 : index
    %get3A_49 = tpu.vector_load %arg7[%get3A_48] {strides = array<i32>} : memref<256xf32, #tpu.memory_space<vmem>>, vector<16xf32>,
    %add3A_50 = arith.constant 112 : i32
    %add3A_51 = vector.broadcast %add3A_50 : i32 to vector<16xi32>
    %add3A_52 = arith.addi %iota3A, %add3A_51 : vector<16xi32>
    %gt3A_53 = arith.cmpf ogt, %get3A_49, %select_n3A_46 : vector<16xf32>
    %select_n3A_54 = arith.select %gt3A_53, %get3A_49, %select_n3A_46 : vector<16xi1>, vector<16xf32>
    %select_n3A_55 = arith.select %gt3A_53, %add3A_52, %select_n3A_47 : vector<16xi1>, vector<16xi32>
    %get3A_56 = arith.constant 128 : index
    %get3A_57 = tpu.vector_load %arg7[%get3A_56] {strides = array<i32>} : memref<256xf32, #tpu.memory_space<vmem>>, vector<16xf32>,
    %add3A_58 = arith.constant 128 : i32
    %add3A_59 = vector.broadcast %add3A_58 : i32 to vector<16xi32>
    %add3A_60 = arith.addi %iota3A, %add3A_59 : vector<16xi32>
    %gt3A_61 = arith.cmpf ogt, %get3A_57, %select_n3A_54 : vector<16xf32>
    %select_n3A_62 = arith.select %gt3A_61, %get3A_57, %select_n3A_54 : vector<16xi1>, vector<16xf32>
    %select_n3A_63 = arith.select %gt3A_61, %add3A_60, %select_n3A_55 : vector<16xi1>, vector<16xi32>
    %get3A_64 = arith.constant 144 : index
    %get3A_65 = tpu.vector_load %arg7[%get3A_64] {strides = array<i32>} : memref<256xf32, #tpu.memory_space<vmem>>, vector<16xf32>,
    %add3A_66 = arith.constant 144 : i32
    %add3A_67 = vector.broadcast %add3A_66 : i32 to vector<16xi32>
    %add3A_68 = arith.addi %iota3A, %add3A_67 : vector<16xi32>
    %gt3A_69 = arith.cmpf ogt, %get3A_65, %select_n3A_62 : vector<16xf32>
    %select_n3A_70 = arith.select %gt3A_69, %get3A_65, %select_n3A_62 : vector<16xi1>, vector<16xf32>
    %select_n3A_71 = arith.select %gt3A_69, %add3A_68, %select_n3A_63 : vector<16xi1>, vector<16xi32>
    %get3A_72 = arith.constant 160 : index
    %get3A_73 = tpu.vector_load %arg7[%get3A_72] {strides = array<i32>} : memref<256xf32, #tpu.memory_space<vmem>>, vector<16xf32>,
    %add3A_74 = arith.constant 160 : i32
    %add3A_75 = vector.broadcast %add3A_74 : i32 to vector<16xi32>
    %add3A_76 = arith.addi %iota3A, %add3A_75 : vector<16xi32>
    %gt3A_77 = arith.cmpf ogt, %get3A_73, %select_n3A_70 : vector<16xf32>
    %select_n3A_78 = arith.select %gt3A_77, %get3A_73, %select_n3A_70 : vector<16xi1>, vector<16xf32>
    %select_n3A_79 = arith.select %gt3A_77, %add3A_76, %select_n3A_71 : vector<16xi1>, vector<16xi32>
    %get3A_80 = arith.constant 176 : index
    %get3A_81 = tpu.vector_load %arg7[%get3A_80] {strides = array<i32>} : memref<256xf32, #tpu.memory_space<vmem>>, vector<16xf32>,
    %add3A_82 = arith.constant 176 : i32
    %add3A_83 = vector.broadcast %add3A_82 : i32 to vector<16xi32>
    %add3A_84 = arith.addi %iota3A, %add3A_83 : vector<16xi32>
    %gt3A_85 = arith.cmpf ogt, %get3A_81, %select_n3A_78 : vector<16xf32>
    %select_n3A_86 = arith.select %gt3A_85, %get3A_81, %select_n3A_78 : vector<16xi1>, vector<16xf32>
    %select_n3A_87 = arith.select %gt3A_85, %add3A_84, %select_n3A_79 : vector<16xi1>, vector<16xi32>
    %get3A_88 = arith.constant 192 : index
    %get3A_89 = tpu.vector_load %arg7[%get3A_88] {strides = array<i32>} : memref<256xf32, #tpu.memory_space<vmem>>, vector<16xf32>,
    %add3A_90 = arith.constant 192 : i32
    %add3A_91 = vector.broadcast %add3A_90 : i32 to vector<16xi32>
    %add3A_92 = arith.addi %iota3A, %add3A_91 : vector<16xi32>
    %gt3A_93 = arith.cmpf ogt, %get3A_89, %select_n3A_86 : vector<16xf32>
    %select_n3A_94 = arith.select %gt3A_93, %get3A_89, %select_n3A_86 : vector<16xi1>, vector<16xf32>
    %select_n3A_95 = arith.select %gt3A_93, %add3A_92, %select_n3A_87 : vector<16xi1>, vector<16xi32>
    %get3A_96 = arith.constant 208 : index
    %get3A_97 = tpu.vector_load %arg7[%get3A_96] {strides = array<i32>} : memref<256xf32, #tpu.memory_space<vmem>>, vector<16xf32>,
    %add3A_98 = arith.constant 208 : i32
    %add3A_99 = vector.broadcast %add3A_98 : i32 to vector<16xi32>
    %add3A_100 = arith.addi %iota3A, %add3A_99 : vector<16xi32>
    %gt3A_101 = arith.cmpf ogt, %get3A_97, %select_n3A_94 : vector<16xf32>
    %select_n3A_102 = arith.select %gt3A_101, %get3A_97, %select_n3A_94 : vector<16xi1>, vector<16xf32>
    %select_n3A_103 = arith.select %gt3A_101, %add3A_100, %select_n3A_95 : vector<16xi1>, vector<16xi32>
    %get3A_104 = arith.constant 224 : index
    %get3A_105 = tpu.vector_load %arg7[%get3A_104] {strides = array<i32>} : memref<256xf32, #tpu.memory_space<vmem>>, vector<16xf32>,
    %add3A_106 = arith.constant 224 : i32
    %add3A_107 = vector.broadcast %add3A_106 : i32 to vector<16xi32>
    %add3A_108 = arith.addi %iota3A, %add3A_107 : vector<16xi32>
    %gt3A_109 = arith.cmpf ogt, %get3A_105, %select_n3A_102 : vector<16xf32>
    %select_n3A_110 = arith.select %gt3A_109, %get3A_105, %select_n3A_102 : vector<16xi1>, vector<16xf32>
    %select_n3A_111 = arith.select %gt3A_109, %add3A_108, %select_n3A_103 : vector<16xi1>, vector<16xi32>
    %get3A_112 = arith.constant 240 : index
    %get3A_113 = tpu.vector_load %arg7[%get3A_112] {strides = array<i32>} : memref<256xf32, #tpu.memory_space<vmem>>, vector<16xf32>,
    %add3A_114 = arith.constant 240 : i32
    %add3A_115 = vector.broadcast %add3A_114 : i32 to vector<16xi32>
    %add3A_116 = arith.addi %iota3A, %add3A_115 : vector<16xi32>
    %gt3A_117 = arith.cmpf ogt, %get3A_113, %select_n3A_110 : vector<16xf32>
    %select_n3A_118 = arith.select %gt3A_117, %get3A_113, %select_n3A_110 : vector<16xi1>, vector<16xf32>
    %select_n3A_119 = arith.select %gt3A_117, %add3A_116, %select_n3A_111 : vector<16xi1>, vector<16xi32>
    %masked_sort3A = arith.constant dense<true> : vector<16xi1>
    %masked_sort3A_120, %masked_sort3A_121, %masked_sort3A_122 = tpu.sort %select_n3A_118, %select_n3A_119 masked %masked_sort3A : (vector<16xf32>, vector<16xi32>, vector<16xi1>) -> (vector<16xi1>, vector<16xf32>, vector<16xi32>)
    %slice3A = vector.extract_strided_slice %masked_sort3A_121 {offsets = [15], sizes = [1], strides = [1]} : vector<16xf32> to vector<1xf32>
    %squeeze3A = vector.extract %slice3A[0] : f32 from vector<1xf32>
    %eq3A = vector.broadcast %squeeze3A : f32 to vector<16xf32>
    %eq3A_123 = arith.cmpf oeq, %select_n3A_118, %eq3A : vector<16xf32>
    %jit3A = arith.constant 256 : i32
    %broadcast_in_dim3A = vector.broadcast %jit3A : i32 to vector<16xi32>
    %select_n3A_124 = arith.select %eq3A_123, %select_n3A_119, %broadcast_in_dim3A : vector<16xi1>, vector<16xi32>
    %masked_sort3A_125 = arith.constant dense<true> : vector<16xi1>
    %masked_sort3A_126 = arith.constant -2147483648 : i32
    %masked_sort3A_127 = vector.broadcast %masked_sort3A_126 : i32 to vector<16xi32>
    %masked_sort3A_128 = arith.xori %select_n3A_124, %masked_sort3A_127 : vector<16xi32>
    %masked_sort3A_129, %masked_sort3A_130, %masked_sort3A_131 = tpu.sort %masked_sort3A_128, %select_n3A_124 masked %masked_sort3A_125 : (vector<16xi32>, vector<16xi32>, vector<16xi1>) -> (vector<16xi1>, vector<16xi32>, vector<16xi32>)
    %masked_sort3A_132 = arith.xori %masked_sort3A_130, %masked_sort3A_127 : vector<16xi32>
    %slice3A_133 = vector.extract_strided_slice %masked_sort3A_132 {offsets = [0], sizes = [1], strides = [1]} : vector<16xi32> to vector<1xi32>
    %squeeze3A_134 = vector.extract %slice3A_133[0] : i32 from vector<1xi32>
    %add3A_135 = arith.constant 0 : i32
    %add3A_136 = vector.broadcast %add3A_135 : i32 to vector<16xi32>
    %add3A_137 = arith.addi %iota3A, %add3A_136 : vector<16xi32>
    %mul3A_138 = arith.constant 256 : i32
    %mul3A_139 = vector.broadcast %mul3A_138 : i32 to vector<16xi32>
    %mul3A_140 = arith.muli %add3A_137, %mul3A_139 : vector<16xi32>
    %add3A_141 = vector.broadcast %squeeze3A_134 : i32 to vector<16xi32>
    %add3A_142 = arith.addi %mul3A_140, %add3A_141 : vector<16xi32>
    %dma_start3A = arith.constant 0 : i32
    %dma_start3A_143 = arith.constant 0 : i32
    %dma_start3A_144 = tpu.memref_slice %arg2[%dma_start3A, %dma_start3A_143] : memref<16384x2048xf32, #tpu.memory_space<hbm>> -> memref<16384x2048xf32, #tpu.memory_space<hbm>>
    tpu.enqueue_indirect_dma source(%dma_start3A_144 : memref<16384x2048xf32, #tpu.memory_space<hbm>>) target(%arg9 : memref<16x2048xf32, #tpu.memory_space<vmem>>) offsets(%add3A_142 : vector<16xi32>) semaphore(%arg12 : memref<!tpu.dma_semaphore, #tpu.memory_space<semaphore_mem>>)
    %add3A_145 = arith.constant 16 : i32
    %add3A_146 = vector.broadcast %add3A_145 : i32 to vector<16xi32>
    %add3A_147 = arith.addi %iota3A, %add3A_146 : vector<16xi32>
    %mul3A_148 = arith.constant 256 : i32
    %mul3A_149 = vector.broadcast %mul3A_148 : i32 to vector<16xi32>
    %mul3A_150 = arith.muli %add3A_147, %mul3A_149 : vector<16xi32>
    %add3A_151 = vector.broadcast %squeeze3A_134 : i32 to vector<16xi32>
    %add3A_152 = arith.addi %mul3A_150, %add3A_151 : vector<16xi32>
    %dma_start3A_153 = arith.constant 0 : i32
    %dma_start3A_154 = arith.constant 0 : i32
    %dma_start3A_155 = tpu.memref_slice %arg2[%dma_start3A_153, %dma_start3A_154] : memref<16384x2048xf32, #tpu.memory_space<hbm>> -> memref<16384x2048xf32, #tpu.memory_space<hbm>>
    tpu.enqueue_indirect_dma source(%dma_start3A_155 : memref<16384x2048xf32, #tpu.memory_space<hbm>>) target(%arg10 : memref<16x2048xf32, #tpu.memory_space<vmem>>) offsets(%add3A_152 : vector<16xi32>) semaphore(%arg13 : memref<!tpu.dma_semaphore, #tpu.memory_space<semaphore_mem>>)
    %add3A_156 = arith.constant 0 : i32
    %add3A_157 = vector.broadcast %add3A_156 : i32 to vector<16xi32>
    %add3A_158 = arith.addi %iota3A, %add3A_157 : vector<16xi32>
    %eq3A_159 = vector.broadcast %squeeze3A_134 : i32 to vector<16xi32>
    %eq3A_160 = arith.cmpi eq, %add3A_158, %eq3A_159 : vector<16xi32>
    %jit3A_161 = arith.constant 1.000000e+00 : f32
    %jit3A_162 = arith.constant 0.000000e+00 : f32
    %broadcast_in_dim3A_163 = vector.broadcast %jit3A_161 : f32 to vector<16xf32>
    %broadcast_in_dim3A_164 = vector.broadcast %jit3A_162 : f32 to vector<16xf32>
    %select_n3A_165 = arith.select %eq3A_160, %broadcast_in_dim3A_163, %broadcast_in_dim3A_164 : vector<16xi1>, vector<16xf32>
    %swap3A = arith.constant 0 : index
    %swap3A_166 = tpu.vector_load %arg8[%swap3A] {strides = array<i32>} : memref<256xf32, #tpu.memory_space<vmem>>, vector<16xf32>,
    tpu.vector_store %arg8[%swap3A], %select_n3A_165 {strides = array<i32>} : memref<256xf32, #tpu.memory_space<vmem>>, vector<16xf32>,
    %add3A_167 = arith.constant 16 : i32
    %add3A_168 = vector.broadcast %add3A_167 : i32 to vector<16xi32>
    %add3A_169 = arith.addi %iota3A, %add3A_168 : vector<16xi32>
    %eq3A_170 = vector.broadcast %squeeze3A_134 : i32 to vector<16xi32>
    %eq3A_171 = arith.cmpi eq, %add3A_169, %eq3A_170 : vector<16xi32>
    %jit3A_172 = arith.constant 1.000000e+00 : f32
    %jit3A_173 = arith.constant 0.000000e+00 : f32
    %broadcast_in_dim3A_174 = vector.broadcast %jit3A_172 : f32 to vector<16xf32>
    %broadcast_in_dim3A_175 = vector.broadcast %jit3A_173 : f32 to vector<16xf32>
    %select_n3A_176 = arith.select %eq3A_171, %broadcast_in_dim3A_174, %broadcast_in_dim3A_175 : vector<16xi1>, vector<16xf32>
    %swap3A_177 = arith.constant 16 : index
    %swap3A_178 = tpu.vector_load %arg8[%swap3A_177] {strides = array<i32>} : memref<256xf32, #tpu.memory_space<vmem>>, vector<16xf32>,
    tpu.vector_store %arg8[%swap3A_177], %select_n3A_176 {strides = array<i32>} : memref<256xf32, #tpu.memory_space<vmem>>, vector<16xf32>,
    %add3A_179 = arith.constant 32 : i32
    %add3A_180 = vector.broadcast %add3A_179 : i32 to vector<16xi32>
    %add3A_181 = arith.addi %iota3A, %add3A_180 : vector<16xi32>
    %eq3A_182 = vector.broadcast %squeeze3A_134 : i32 to vector<16xi32>
    %eq3A_183 = arith.cmpi eq, %add3A_181, %eq3A_182 : vector<16xi32>
    %jit3A_184 = arith.constant 1.000000e+00 : f32
    %jit3A_185 = arith.constant 0.000000e+00 : f32
    %broadcast_in_dim3A_186 = vector.broadcast %jit3A_184 : f32 to vector<16xf32>
    %broadcast_in_dim3A_187 = vector.broadcast %jit3A_185 : f32 to vector<16xf32>
    %select_n3A_188 = arith.select %eq3A_183, %broadcast_in_dim3A_186, %broadcast_in_dim3A_187 : vector<16xi1>, vector<16xf32>
    %swap3A_189 = arith.constant 32 : index
    %swap3A_190 = tpu.vector_load %arg8[%swap3A_189] {strides = array<i32>} : memref<256xf32, #tpu.memory_space<vmem>>, vector<16xf32>,
    tpu.vector_store %arg8[%swap3A_189], %select_n3A_188 {strides = array<i32>} : memref<256xf32, #tpu.memory_space<vmem>>, vector<16xf32>,
    %add3A_191 = arith.constant 48 : i32
    %add3A_192 = vector.broadcast %add3A_191 : i32 to vector<16xi32>
    %add3A_193 = arith.addi %iota3A, %add3A_192 : vector<16xi32>
    %eq3A_194 = vector.broadcast %squeeze3A_134 : i32 to vector<16xi32>
    %eq3A_195 = arith.cmpi eq, %add3A_193, %eq3A_194 : vector<16xi32>
    %jit3A_196 = arith.constant 1.000000e+00 : f32
    %jit3A_197 = arith.constant 0.000000e+00 : f32
    %broadcast_in_dim3A_198 = vector.broadcast %jit3A_196 : f32 to vector<16xf32>
    %broadcast_in_dim3A_199 = vector.broadcast %jit3A_197 : f32 to vector<16xf32>
    %select_n3A_200 = arith.select %eq3A_195, %broadcast_in_dim3A_198, %broadcast_in_dim3A_199 : vector<16xi1>, vector<16xf32>
    %swap3A_201 = arith.constant 48 : index
    %swap3A_202 = tpu.vector_load %arg8[%swap3A_201] {strides = array<i32>} : memref<256xf32, #tpu.memory_space<vmem>>, vector<16xf32>,
    tpu.vector_store %arg8[%swap3A_201], %select_n3A_200 {strides = array<i32>} : memref<256xf32, #tpu.memory_space<vmem>>, vector<16xf32>,
    %add3A_203 = arith.constant 64 : i32
    %add3A_204 = vector.broadcast %add3A_203 : i32 to vector<16xi32>
    %add3A_205 = arith.addi %iota3A, %add3A_204 : vector<16xi32>
    %eq3A_206 = vector.broadcast %squeeze3A_134 : i32 to vector<16xi32>
    %eq3A_207 = arith.cmpi eq, %add3A_205, %eq3A_206 : vector<16xi32>
    %jit3A_208 = arith.constant 1.000000e+00 : f32
    %jit3A_209 = arith.constant 0.000000e+00 : f32
    %broadcast_in_dim3A_210 = vector.broadcast %jit3A_208 : f32 to vector<16xf32>
    %broadcast_in_dim3A_211 = vector.broadcast %jit3A_209 : f32 to vector<16xf32>
    %select_n3A_212 = arith.select %eq3A_207, %broadcast_in_dim3A_210, %broadcast_in_dim3A_211 : vector<16xi1>, vector<16xf32>
    %swap3A_213 = arith.constant 64 : index
    %swap3A_214 = tpu.vector_load %arg8[%swap3A_213] {strides = array<i32>} : memref<256xf32, #tpu.memory_space<vmem>>, vector<16xf32>,
    tpu.vector_store %arg8[%swap3A_213], %select_n3A_212 {strides = array<i32>} : memref<256xf32, #tpu.memory_space<vmem>>, vector<16xf32>,
    %add3A_215 = arith.constant 80 : i32
    %add3A_216 = vector.broadcast %add3A_215 : i32 to vector<16xi32>
    %add3A_217 = arith.addi %iota3A, %add3A_216 : vector<16xi32>
    %eq3A_218 = vector.broadcast %squeeze3A_134 : i32 to vector<16xi32>
    %eq3A_219 = arith.cmpi eq, %add3A_217, %eq3A_218 : vector<16xi32>
    %jit3A_220 = arith.constant 1.000000e+00 : f32
    %jit3A_221 = arith.constant 0.000000e+00 : f32
    %broadcast_in_dim3A_222 = vector.broadcast %jit3A_220 : f32 to vector<16xf32>
    %broadcast_in_dim3A_223 = vector.broadcast %jit3A_221 : f32 to vector<16xf32>
    %select_n3A_224 = arith.select %eq3A_219, %broadcast_in_dim3A_222, %broadcast_in_dim3A_223 : vector<16xi1>, vector<16xf32>
    %swap3A_225 = arith.constant 80 : index
    %swap3A_226 = tpu.vector_load %arg8[%swap3A_225] {strides = array<i32>} : memref<256xf32, #tpu.memory_space<vmem>>, vector<16xf32>,
    tpu.vector_store %arg8[%swap3A_225], %select_n3A_224 {strides = array<i32>} : memref<256xf32, #tpu.memory_space<vmem>>, vector<16xf32>,
    %add3A_227 = arith.constant 96 : i32
    %add3A_228 = vector.broadcast %add3A_227 : i32 to vector<16xi32>
    %add3A_229 = arith.addi %iota3A, %add3A_228 : vector<16xi32>
    %eq3A_230 = vector.broadcast %squeeze3A_134 : i32 to vector<16xi32>
    %eq3A_231 = arith.cmpi eq, %add3A_229, %eq3A_230 : vector<16xi32>
    %jit3A_232 = arith.constant 1.000000e+00 : f32
    %jit3A_233 = arith.constant 0.000000e+00 : f32
    %broadcast_in_dim3A_234 = vector.broadcast %jit3A_232 : f32 to vector<16xf32>
    %broadcast_in_dim3A_235 = vector.broadcast %jit3A_233 : f32 to vector<16xf32>
    %select_n3A_236 = arith.select %eq3A_231, %broadcast_in_dim3A_234, %broadcast_in_dim3A_235 : vector<16xi1>, vector<16xf32>
    %swap3A_237 = arith.constant 96 : index
    %swap3A_238 = tpu.vector_load %arg8[%swap3A_237] {strides = array<i32>} : memref<256xf32, #tpu.memory_space<vmem>>, vector<16xf32>,
    tpu.vector_store %arg8[%swap3A_237], %select_n3A_236 {strides = array<i32>} : memref<256xf32, #tpu.memory_space<vmem>>, vector<16xf32>,
    %add3A_239 = arith.constant 112 : i32
    %add3A_240 = vector.broadcast %add3A_239 : i32 to vector<16xi32>
    %add3A_241 = arith.addi %iota3A, %add3A_240 : vector<16xi32>
    %eq3A_242 = vector.broadcast %squeeze3A_134 : i32 to vector<16xi32>
    %eq3A_243 = arith.cmpi eq, %add3A_241, %eq3A_242 : vector<16xi32>
    %jit3A_244 = arith.constant 1.000000e+00 : f32
    %jit3A_245 = arith.constant 0.000000e+00 : f32
    %broadcast_in_dim3A_246 = vector.broadcast %jit3A_244 : f32 to vector<16xf32>
    %broadcast_in_dim3A_247 = vector.broadcast %jit3A_245 : f32 to vector<16xf32>
    %select_n3A_248 = arith.select %eq3A_243, %broadcast_in_dim3A_246, %broadcast_in_dim3A_247 : vector<16xi1>, vector<16xf32>
    %swap3A_249 = arith.constant 112 : index
    %swap3A_250 = tpu.vector_load %arg8[%swap3A_249] {strides = array<i32>} : memref<256xf32, #tpu.memory_space<vmem>>, vector<16xf32>,
    tpu.vector_store %arg8[%swap3A_249], %select_n3A_248 {strides = array<i32>} : memref<256xf32, #tpu.memory_space<vmem>>, vector<16xf32>,
    %add3A_251 = arith.constant 128 : i32
    %add3A_252 = vector.broadcast %add3A_251 : i32 to vector<16xi32>
    %add3A_253 = arith.addi %iota3A, %add3A_252 : vector<16xi32>
    %eq3A_254 = vector.broadcast %squeeze3A_134 : i32 to vector<16xi32>
    %eq3A_255 = arith.cmpi eq, %add3A_253, %eq3A_254 : vector<16xi32>
    %jit3A_256 = arith.constant 1.000000e+00 : f32
    %jit3A_257 = arith.constant 0.000000e+00 : f32
    %broadcast_in_dim3A_258 = vector.broadcast %jit3A_256 : f32 to vector<16xf32>
    %broadcast_in_dim3A_259 = vector.broadcast %jit3A_257 : f32 to vector<16xf32>
    %select_n3A_260 = arith.select %eq3A_255, %broadcast_in_dim3A_258, %broadcast_in_dim3A_259 : vector<16xi1>, vector<16xf32>
    %swap3A_261 = arith.constant 128 : index
    %swap3A_262 = tpu.vector_load %arg8[%swap3A_261] {strides = array<i32>} : memref<256xf32, #tpu.memory_space<vmem>>, vector<16xf32>,
    tpu.vector_store %arg8[%swap3A_261], %select_n3A_260 {strides = array<i32>} : memref<256xf32, #tpu.memory_space<vmem>>, vector<16xf32>,
    %add3A_263 = arith.constant 144 : i32
    %add3A_264 = vector.broadcast %add3A_263 : i32 to vector<16xi32>
    %add3A_265 = arith.addi %iota3A, %add3A_264 : vector<16xi32>
    %eq3A_266 = vector.broadcast %squeeze3A_134 : i32 to vector<16xi32>
    %eq3A_267 = arith.cmpi eq, %add3A_265, %eq3A_266 : vector<16xi32>
    %jit3A_268 = arith.constant 1.000000e+00 : f32
    %jit3A_269 = arith.constant 0.000000e+00 : f32
    %broadcast_in_dim3A_270 = vector.broadcast %jit3A_268 : f32 to vector<16xf32>
    %broadcast_in_dim3A_271 = vector.broadcast %jit3A_269 : f32 to vector<16xf32>
    %select_n3A_272 = arith.select %eq3A_267, %broadcast_in_dim3A_270, %broadcast_in_dim3A_271 : vector<16xi1>, vector<16xf32>
    %swap3A_273 = arith.constant 144 : index
    %swap3A_274 = tpu.vector_load %arg8[%swap3A_273] {strides = array<i32>} : memref<256xf32, #tpu.memory_space<vmem>>, vector<16xf32>,
    tpu.vector_store %arg8[%swap3A_273], %select_n3A_272 {strides = array<i32>} : memref<256xf32, #tpu.memory_space<vmem>>, vector<16xf32>,
    %add3A_275 = arith.constant 160 : i32
    %add3A_276 = vector.broadcast %add3A_275 : i32 to vector<16xi32>
    %add3A_277 = arith.addi %iota3A, %add3A_276 : vector<16xi32>
    %eq3A_278 = vector.broadcast %squeeze3A_134 : i32 to vector<16xi32>
    %eq3A_279 = arith.cmpi eq, %add3A_277, %eq3A_278 : vector<16xi32>
    %jit3A_280 = arith.constant 1.000000e+00 : f32
    %jit3A_281 = arith.constant 0.000000e+00 : f32
    %broadcast_in_dim3A_282 = vector.broadcast %jit3A_280 : f32 to vector<16xf32>
    %broadcast_in_dim3A_283 = vector.broadcast %jit3A_281 : f32 to vector<16xf32>
    %select_n3A_284 = arith.select %eq3A_279, %broadcast_in_dim3A_282, %broadcast_in_dim3A_283 : vector<16xi1>, vector<16xf32>
    %swap3A_285 = arith.constant 160 : index
    %swap3A_286 = tpu.vector_load %arg8[%swap3A_285] {strides = array<i32>} : memref<256xf32, #tpu.memory_space<vmem>>, vector<16xf32>,
    tpu.vector_store %arg8[%swap3A_285], %select_n3A_284 {strides = array<i32>} : memref<256xf32, #tpu.memory_space<vmem>>, vector<16xf32>,
    %add3A_287 = arith.constant 176 : i32
    %add3A_288 = vector.broadcast %add3A_287 : i32 to vector<16xi32>
    %add3A_289 = arith.addi %iota3A, %add3A_288 : vector<16xi32>
    %eq3A_290 = vector.broadcast %squeeze3A_134 : i32 to vector<16xi32>
    %eq3A_291 = arith.cmpi eq, %add3A_289, %eq3A_290 : vector<16xi32>
    %jit3A_292 = arith.constant 1.000000e+00 : f32
    %jit3A_293 = arith.constant 0.000000e+00 : f32
    %broadcast_in_dim3A_294 = vector.broadcast %jit3A_292 : f32 to vector<16xf32>
    %broadcast_in_dim3A_295 = vector.broadcast %jit3A_293 : f32 to vector<16xf32>
    %select_n3A_296 = arith.select %eq3A_291, %broadcast_in_dim3A_294, %broadcast_in_dim3A_295 : vector<16xi1>, vector<16xf32>
    %swap3A_297 = arith.constant 176 : index
    %swap3A_298 = tpu.vector_load %arg8[%swap3A_297] {strides = array<i32>} : memref<256xf32, #tpu.memory_space<vmem>>, vector<16xf32>,
    tpu.vector_store %arg8[%swap3A_297], %select_n3A_296 {strides = array<i32>} : memref<256xf32, #tpu.memory_space<vmem>>, vector<16xf32>,
    %add3A_299 = arith.constant 192 : i32
    %add3A_300 = vector.broadcast %add3A_299 : i32 to vector<16xi32>
    %add3A_301 = arith.addi %iota3A, %add3A_300 : vector<16xi32>
    %eq3A_302 = vector.broadcast %squeeze3A_134 : i32 to vector<16xi32>
    %eq3A_303 = arith.cmpi eq, %add3A_301, %eq3A_302 : vector<16xi32>
    %jit3A_304 = arith.constant 1.000000e+00 : f32
    %jit3A_305 = arith.constant 0.000000e+00 : f32
    %broadcast_in_dim3A_306 = vector.broadcast %jit3A_304 : f32 to vector<16xf32>
    %broadcast_in_dim3A_307 = vector.broadcast %jit3A_305 : f32 to vector<16xf32>
    %select_n3A_308 = arith.select %eq3A_303, %broadcast_in_dim3A_306, %broadcast_in_dim3A_307 : vector<16xi1>, vector<16xf32>
    %swap3A_309 = arith.constant 192 : index
    %swap3A_310 = tpu.vector_load %arg8[%swap3A_309] {strides = array<i32>} : memref<256xf32, #tpu.memory_space<vmem>>, vector<16xf32>,
    tpu.vector_store %arg8[%swap3A_309], %select_n3A_308 {strides = array<i32>} : memref<256xf32, #tpu.memory_space<vmem>>, vector<16xf32>,
    %add3A_311 = arith.constant 208 : i32
    %add3A_312 = vector.broadcast %add3A_311 : i32 to vector<16xi32>
    %add3A_313 = arith.addi %iota3A, %add3A_312 : vector<16xi32>
    %eq3A_314 = vector.broadcast %squeeze3A_134 : i32 to vector<16xi32>
    %eq3A_315 = arith.cmpi eq, %add3A_313, %eq3A_314 : vector<16xi32>
    %jit3A_316 = arith.constant 1.000000e+00 : f32
    %jit3A_317 = arith.constant 0.000000e+00 : f32
    %broadcast_in_dim3A_318 = vector.broadcast %jit3A_316 : f32 to vector<16xf32>
    %broadcast_in_dim3A_319 = vector.broadcast %jit3A_317 : f32 to vector<16xf32>
    %select_n3A_320 = arith.select %eq3A_315, %broadcast_in_dim3A_318, %broadcast_in_dim3A_319 : vector<16xi1>, vector<16xf32>
    %swap3A_321 = arith.constant 208 : index
    %swap3A_322 = tpu.vector_load %arg8[%swap3A_321] {strides = array<i32>} : memref<256xf32, #tpu.memory_space<vmem>>, vector<16xf32>,
    tpu.vector_store %arg8[%swap3A_321], %select_n3A_320 {strides = array<i32>} : memref<256xf32, #tpu.memory_space<vmem>>, vector<16xf32>,
    %add3A_323 = arith.constant 224 : i32
    %add3A_324 = vector.broadcast %add3A_323 : i32 to vector<16xi32>
    %add3A_325 = arith.addi %iota3A, %add3A_324 : vector<16xi32>
    %eq3A_326 = vector.broadcast %squeeze3A_134 : i32 to vector<16xi32>
    %eq3A_327 = arith.cmpi eq, %add3A_325, %eq3A_326 : vector<16xi32>
    %jit3A_328 = arith.constant 1.000000e+00 : f32
    %jit3A_329 = arith.constant 0.000000e+00 : f32
    %broadcast_in_dim3A_330 = vector.broadcast %jit3A_328 : f32 to vector<16xf32>
    %broadcast_in_dim3A_331 = vector.broadcast %jit3A_329 : f32 to vector<16xf32>
    %select_n3A_332 = arith.select %eq3A_327, %broadcast_in_dim3A_330, %broadcast_in_dim3A_331 : vector<16xi1>, vector<16xf32>
    %swap3A_333 = arith.constant 224 : index
    %swap3A_334 = tpu.vector_load %arg8[%swap3A_333] {strides = array<i32>} : memref<256xf32, #tpu.memory_space<vmem>>, vector<16xf32>,
    tpu.vector_store %arg8[%swap3A_333], %select_n3A_332 {strides = array<i32>} : memref<256xf32, #tpu.memory_space<vmem>>, vector<16xf32>,
    %add3A_335 = arith.constant 240 : i32
    %add3A_336 = vector.broadcast %add3A_335 : i32 to vector<16xi32>
    %add3A_337 = arith.addi %iota3A, %add3A_336 : vector<16xi32>
    %eq3A_338 = vector.broadcast %squeeze3A_134 : i32 to vector<16xi32>
    %eq3A_339 = arith.cmpi eq, %add3A_337, %eq3A_338 : vector<16xi32>
    %jit3A_340 = arith.constant 1.000000e+00 : f32
    %jit3A_341 = arith.constant 0.000000e+00 : f32
    %broadcast_in_dim3A_342 = vector.broadcast %jit3A_340 : f32 to vector<16xf32>
    %broadcast_in_dim3A_343 = vector.broadcast %jit3A_341 : f32 to vector<16xf32>
    %select_n3A_344 = arith.select %eq3A_339, %broadcast_in_dim3A_342, %broadcast_in_dim3A_343 : vector<16xi1>, vector<16xf32>
    %swap3A_345 = arith.constant 240 : index
    %swap3A_346 = tpu.vector_load %arg8[%swap3A_345] {strides = array<i32>} : memref<256xf32, #tpu.memory_space<vmem>>, vector<16xf32>,
    tpu.vector_store %arg8[%swap3A_345], %select_n3A_344 {strides = array<i32>} : memref<256xf32, #tpu.memory_space<vmem>>, vector<16xf32>,
    %dma_start3A_347 = arith.constant 0 : i32
    %dma_start3A_348 = tpu.memref_slice %arg5[%add3A, %dma_start3A_347] : memref<32x256xf32, #tpu.memory_space<hbm>> -> memref<1x256xf32, #tpu.memory_space<hbm>>
    %dma_start3A_349 = tpu.memref_squeeze %dma_start3A_348 : memref<1x256xf32, #tpu.memory_space<hbm>> -> memref<256xf32, #tpu.memory_space<hbm>>
    %dma_start3A_350 = arith.constant 0 : i32
    %dma_start3A_351 = tpu.memref_slice %arg5[%add3A, %dma_start3A_350] : memref<32x256xf32, #tpu.memory_space<hbm>> -> memref<1x256xf32, #tpu.memory_space<hbm>>
    %dma_start3A_352 = tpu.memref_squeeze %dma_start3A_351 : memref<1x256xf32, #tpu.memory_space<hbm>> -> memref<256xf32, #tpu.memory_space<hbm>>
    tpu.enqueue_dma source(%arg8 : memref<256xf32, #tpu.memory_space<vmem>>) target(%dma_start3A_352 : memref<256xf32, #tpu.memory_space<hbm>>) target_semaphore(%arg18 : memref<!tpu.dma_semaphore, #tpu.memory_space<semaphore_mem>>)
    %dma_start3A_353 = arith.constant 0 : i32
    %dma_start3A_354 = tpu.memref_slice %arg6[%add3A, %dma_start3A_353] : memref<32x256xf32, #tpu.memory_space<hbm>> -> memref<1x256xf32, #tpu.memory_space<hbm>>
    %dma_start3A_355 = tpu.memref_squeeze %dma_start3A_354 : memref<1x256xf32, #tpu.memory_space<hbm>> -> memref<256xf32, #tpu.memory_space<hbm>>
    %dma_start3A_356 = arith.constant 0 : i32
    %dma_start3A_357 = tpu.memref_slice %arg6[%add3A, %dma_start3A_356] : memref<32x256xf32, #tpu.memory_space<hbm>> -> memref<1x256xf32, #tpu.memory_space<hbm>>
    %dma_start3A_358 = tpu.memref_squeeze %dma_start3A_357 : memref<1x256xf32, #tpu.memory_space<hbm>> -> memref<256xf32, #tpu.memory_space<hbm>>
    tpu.enqueue_dma source(%arg8 : memref<256xf32, #tpu.memory_space<vmem>>) target(%dma_start3A_358 : memref<256xf32, #tpu.memory_space<hbm>>) target_semaphore(%arg18 : memref<!tpu.dma_semaphore, #tpu.memory_space<semaphore_mem>>)
    %add3A_359 = arith.constant 32 : i32
    %add3A_360 = vector.broadcast %add3A_359 : i32 to vector<16xi32>
    %add3A_361 = arith.addi %iota3A, %add3A_360 : vector<16xi32>
    %mul3A_362 = arith.constant 256 : i32
    %mul3A_363 = vector.broadcast %mul3A_362 : i32 to vector<16xi32>
    %mul3A_364 = arith.muli %add3A_361, %mul3A_363 : vector<16xi32>
    %add3A_365 = vector.broadcast %squeeze3A_134 : i32 to vector<16xi32>
    %add3A_366 = arith.addi %mul3A_364, %add3A_365 : vector<16xi32>
    %dma_start3A_367 = arith.constant 0 : i32
    %dma_start3A_368 = arith.constant 0 : i32
    %dma_start3A_369 = tpu.memref_slice %arg2[%dma_start3A_367, %dma_start3A_368] : memref<16384x2048xf32, #tpu.memory_space<hbm>> -> memref<16384x2048xf32, #tpu.memory_space<hbm>>
    tpu.enqueue_indirect_dma source(%dma_start3A_369 : memref<16384x2048xf32, #tpu.memory_space<hbm>>) target(%arg11 : memref<16x2048xf32, #tpu.memory_space<vmem>>) offsets(%add3A_366 : vector<16xi32>) semaphore(%arg14 : memref<!tpu.dma_semaphore, #tpu.memory_space<semaphore_mem>>)
    %dma_wait3A = arith.constant 0 : i32
    %dma_wait3A_370 = arith.constant 0 : i32
    %dma_wait3A_371 = tpu.memref_slice %arg2[%dma_wait3A, %dma_wait3A_370] : memref<16384x2048xf32, #tpu.memory_space<hbm>> -> memref<16384x2048xf32, #tpu.memory_space<hbm>>
    tpu.wait_indirect_dma semaphore(%arg12 : memref<!tpu.dma_semaphore, #tpu.memory_space<semaphore_mem>>) src(%dma_wait3A_371 : memref<16384x2048xf32, #tpu.memory_space<hbm>>) dst(%arg9 : memref<16x2048xf32, #tpu.memory_space<vmem>>)
    %add3A_372 = arith.constant 0 : i32
    %add3A_373 = vector.broadcast %add3A_372 : i32 to vector<16xi32>
    %add3A_374 = arith.addi %iota3A, %add3A_373 : vector<16xi32>
    %mul3A_375 = arith.constant 32 : i32
    %mul3A_376 = vector.broadcast %mul3A_375 : i32 to vector<16xi32>
    %mul3A_377 = arith.muli %add3A_374, %mul3A_376 : vector<16xi32>
    %add3A_378 = vector.broadcast %add3A : i32 to vector<16xi32>
    %add3A_379 = arith.addi %mul3A_377, %add3A_378 : vector<16xi32>
    %dma_start3A_380 = arith.constant 0 : i32
    %dma_start3A_381 = arith.constant 0 : i32
    %dma_start3A_382 = tpu.memref_slice %arg4[%dma_start3A_380, %dma_start3A_381] : memref<2048x2048xf32, #tpu.memory_space<hbm>> -> memref<2048x2048xf32, #tpu.memory_space<hbm>>
    tpu.enqueue_indirect_dma source(%arg9 : memref<16x2048xf32, #tpu.memory_space<vmem>>) target(%dma_start3A_382 : memref<2048x2048xf32, #tpu.memory_space<hbm>>) offsets(%add3A_379 : vector<16xi32>) semaphore(%arg15 : memref<!tpu.dma_semaphore, #tpu.memory_space<semaphore_mem>>)
    %dma_wait3A_383 = arith.constant 0 : i32
    %dma_wait3A_384 = arith.constant 0 : i32
    %dma_wait3A_385 = tpu.memref_slice %arg4[%dma_wait3A_383, %dma_wait3A_384] : memref<2048x2048xf32, #tpu.memory_space<hbm>> -> memref<2048x2048xf32, #tpu.memory_space<hbm>>
    tpu.wait_indirect_dma semaphore(%arg15 : memref<!tpu.dma_semaphore, #tpu.memory_space<semaphore_mem>>) src(%arg9 : memref<16x2048xf32, #tpu.memory_space<vmem>>) dst(%dma_wait3A_385 : memref<2048x2048xf32, #tpu.memory_space<hbm>>)
    %add3A_386 = arith.constant 48 : i32
    %add3A_387 = vector.broadcast %add3A_386 : i32 to vector<16xi32>
    %add3A_388 = arith.addi %iota3A, %add3A_387 : vector<16xi32>
    %mul3A_389 = arith.constant 256 : i32
    %mul3A_390 = vector.broadcast %mul3A_389 : i32 to vector<16xi32>
    %mul3A_391 = arith.muli %add3A_388, %mul3A_390 : vector<16xi32>
    %add3A_392 = vector.broadcast %squeeze3A_134 : i32 to vector<16xi32>
    %add3A_393 = arith.addi %mul3A_391, %add3A_392 : vector<16xi32>
    %dma_start3A_394 = arith.constant 0 : i32
    %dma_start3A_395 = arith.constant 0 : i32
    %dma_start3A_396 = tpu.memref_slice %arg2[%dma_start3A_394, %dma_start3A_395] : memref<16384x2048xf32, #tpu.memory_space<hbm>> -> memref<16384x2048xf32, #tpu.memory_space<hbm>>
    tpu.enqueue_indirect_dma source(%dma_start3A_396 : memref<16384x2048xf32, #tpu.memory_space<hbm>>) target(%arg9 : memref<16x2048xf32, #tpu.memory_space<vmem>>) offsets(%add3A_393 : vector<16xi32>) semaphore(%arg12 : memref<!tpu.dma_semaphore, #tpu.memory_space<semaphore_mem>>)
    %dma_wait3A_397 = arith.constant 0 : i32
    %dma_wait3A_398 = arith.constant 0 : i32
    %dma_wait3A_399 = tpu.memref_slice %arg2[%dma_wait3A_397, %dma_wait3A_398] : memref<16384x2048xf32, #tpu.memory_space<hbm>> -> memref<16384x2048xf32, #tpu.memory_space<hbm>>
    tpu.wait_indirect_dma semaphore(%arg13 : memref<!tpu.dma_semaphore, #tpu.memory_space<semaphore_mem>>) src(%dma_wait3A_399 : memref<16384x2048xf32, #tpu.memory_space<hbm>>) dst(%arg10 : memref<16x2048xf32, #tpu.memory_space<vmem>>)
    %add3A_400 = arith.constant 16 : i32
    %add3A_401 = vector.broadcast %add3A_400 : i32 to vector<16xi32>
    %add3A_402 = arith.addi %iota3A, %add3A_401 : vector<16xi32>
    %mul3A_403 = arith.constant 32 : i32
    %mul3A_404 = vector.broadcast %mul3A_403 : i32 to vector<16xi32>
    %mul3A_405 = arith.muli %add3A_402, %mul3A_404 : vector<16xi32>
    %add3A_406 = vector.broadcast %add3A : i32 to vector<16xi32>
    %add3A_407 = arith.addi %mul3A_405, %add3A_406 : vector<16xi32>
    %dma_start3A_408 = arith.constant 0 : i32
    %dma_start3A_409 = arith.constant 0 : i32
    %dma_start3A_410 = tpu.memref_slice %arg4[%dma_start3A_408, %dma_start3A_409] : memref<2048x2048xf32, #tpu.memory_space<hbm>> -> memref<2048x2048xf32, #tpu.memory_space<hbm>>
    tpu.enqueue_indirect_dma source(%arg10 : memref<16x2048xf32, #tpu.memory_space<vmem>>) target(%dma_start3A_410 : memref<2048x2048xf32, #tpu.memory_space<hbm>>) offsets(%add3A_407 : vector<16xi32>) semaphore(%arg16 : memref<!tpu.dma_semaphore, #tpu.memory_space<semaphore_mem>>)
    %dma_wait3A_411 = arith.constant 0 : i32
    %dma_wait3A_412 = arith.constant 0 : i32
    %dma_wait3A_413 = tpu.memref_slice %arg2[%dma_wait3A_411, %dma_wait3A_412] : memref<16384x2048xf32, #tpu.memory_space<hbm>> -> memref<16384x2048xf32, #tpu.memory_space<hbm>>
    tpu.wait_indirect_dma semaphore(%arg14 : memref<!tpu.dma_semaphore, #tpu.memory_space<semaphore_mem>>) src(%dma_wait3A_413 : memref<16384x2048xf32, #tpu.memory_space<hbm>>) dst(%arg11 : memref<16x2048xf32, #tpu.memory_space<vmem>>)
    %add3A_414 = arith.constant 32 : i32
    %add3A_415 = vector.broadcast %add3A_414 : i32 to vector<16xi32>
    %add3A_416 = arith.addi %iota3A, %add3A_415 : vector<16xi32>
    %mul3A_417 = arith.constant 32 : i32
    %mul3A_418 = vector.broadcast %mul3A_417 : i32 to vector<16xi32>
    %mul3A_419 = arith.muli %add3A_416, %mul3A_418 : vector<16xi32>
    %add3A_420 = vector.broadcast %add3A : i32 to vector<16xi32>
    %add3A_421 = arith.addi %mul3A_419, %add3A_420 : vector<16xi32>
    %dma_start3A_422 = arith.constant 0 : i32
    %dma_start3A_423 = arith.constant 0 : i32
    %dma_start3A_424 = tpu.memref_slice %arg4[%dma_start3A_422, %dma_start3A_423] : memref<2048x2048xf32, #tpu.memory_space<hbm>> -> memref<2048x2048xf32, #tpu.memory_space<hbm>>
    tpu.enqueue_indirect_dma source(%arg11 : memref<16x2048xf32, #tpu.memory_space<vmem>>) target(%dma_start3A_424 : memref<2048x2048xf32, #tpu.memory_space<hbm>>) offsets(%add3A_421 : vector<16xi32>) semaphore(%arg17 : memref<!tpu.dma_semaphore, #tpu.memory_space<semaphore_mem>>)
    %dma_wait3A_425 = arith.constant 0 : i32
    %dma_wait3A_426 = arith.constant 0 : i32
    %dma_wait3A_427 = tpu.memref_slice %arg2[%dma_wait3A_425, %dma_wait3A_426] : memref<16384x2048xf32, #tpu.memory_space<hbm>> -> memref<16384x2048xf32, #tpu.memory_space<hbm>>
    tpu.wait_indirect_dma semaphore(%arg12 : memref<!tpu.dma_semaphore, #tpu.memory_space<semaphore_mem>>) src(%dma_wait3A_427 : memref<16384x2048xf32, #tpu.memory_space<hbm>>) dst(%arg9 : memref<16x2048xf32, #tpu.memory_space<vmem>>)
    %add3A_428 = arith.constant 48 : i32
    %add3A_429 = vector.broadcast %add3A_428 : i32 to vector<16xi32>
    %add3A_430 = arith.addi %iota3A, %add3A_429 : vector<16xi32>
    %mul3A_431 = arith.constant 32 : i32
    %mul3A_432 = vector.broadcast %mul3A_431 : i32 to vector<16xi32>
    %mul3A_433 = arith.muli %add3A_430, %mul3A_432 : vector<16xi32>
    %add3A_434 = vector.broadcast %add3A : i32 to vector<16xi32>
    %add3A_435 = arith.addi %mul3A_433, %add3A_434 : vector<16xi32>
    %dma_start3A_436 = arith.constant 0 : i32
    %dma_start3A_437 = arith.constant 0 : i32
    %dma_start3A_438 = tpu.memref_slice %arg4[%dma_start3A_436, %dma_start3A_437] : memref<2048x2048xf32, #tpu.memory_space<hbm>> -> memref<2048x2048xf32, #tpu.memory_space<hbm>>
    tpu.enqueue_indirect_dma source(%arg9 : memref<16x2048xf32, #tpu.memory_space<vmem>>) target(%dma_start3A_438 : memref<2048x2048xf32, #tpu.memory_space<hbm>>) offsets(%add3A_435 : vector<16xi32>) semaphore(%arg15 : memref<!tpu.dma_semaphore, #tpu.memory_space<semaphore_mem>>)
    %dma_wait3A_439 = arith.constant 0 : i32
    %dma_wait3A_440 = arith.constant 0 : i32
    %dma_wait3A_441 = tpu.memref_slice %arg4[%dma_wait3A_439, %dma_wait3A_440] : memref<2048x2048xf32, #tpu.memory_space<hbm>> -> memref<2048x2048xf32, #tpu.memory_space<hbm>>
    tpu.wait_indirect_dma semaphore(%arg16 : memref<!tpu.dma_semaphore, #tpu.memory_space<semaphore_mem>>) src(%arg10 : memref<16x2048xf32, #tpu.memory_space<vmem>>) dst(%dma_wait3A_441 : memref<2048x2048xf32, #tpu.memory_space<hbm>>)
    %dma_wait3A_442 = arith.constant 0 : i32
    %dma_wait3A_443 = arith.constant 0 : i32
    %dma_wait3A_444 = tpu.memref_slice %arg4[%dma_wait3A_442, %dma_wait3A_443] : memref<2048x2048xf32, #tpu.memory_space<hbm>> -> memref<2048x2048xf32, #tpu.memory_space<hbm>>
    tpu.wait_indirect_dma semaphore(%arg17 : memref<!tpu.dma_semaphore, #tpu.memory_space<semaphore_mem>>) src(%arg11 : memref<16x2048xf32, #tpu.memory_space<vmem>>) dst(%dma_wait3A_444 : memref<2048x2048xf32, #tpu.memory_space<hbm>>)
    %dma_wait3A_445 = arith.constant 0 : i32
    %dma_wait3A_446 = arith.constant 0 : i32
    %dma_wait3A_447 = tpu.memref_slice %arg4[%dma_wait3A_445, %dma_wait3A_446] : memref<2048x2048xf32, #tpu.memory_space<hbm>> -> memref<2048x2048xf32, #tpu.memory_space<hbm>>
    tpu.wait_indirect_dma semaphore(%arg15 : memref<!tpu.dma_semaphore, #tpu.memory_space<semaphore_mem>>) src(%arg9 : memref<16x2048xf32, #tpu.memory_space<vmem>>) dst(%dma_wait3A_447 : memref<2048x2048xf32, #tpu.memory_space<hbm>>)
    %dma_wait3A_448 = arith.constant 0 : i32
    %dma_wait3A_449 = tpu.memref_slice %arg5[%add3A, %dma_wait3A_448] : memref<32x256xf32, #tpu.memory_space<hbm>> -> memref<1x256xf32, #tpu.memory_space<hbm>>
    %dma_wait3A_450 = tpu.memref_squeeze %dma_wait3A_449 : memref<1x256xf32, #tpu.memory_space<hbm>> -> memref<256xf32, #tpu.memory_space<hbm>>
    %dma_wait3A_451 = arith.constant 0 : i32
    %dma_wait3A_452 = tpu.memref_slice %arg5[%add3A, %dma_wait3A_451] : memref<32x256xf32, #tpu.memory_space<hbm>> -> memref<1x256xf32, #tpu.memory_space<hbm>>
    %dma_wait3A_453 = tpu.memref_squeeze %dma_wait3A_452 : memref<1x256xf32, #tpu.memory_space<hbm>> -> memref<256xf32, #tpu.memory_space<hbm>>
    tpu.wait_dma2 semaphore(%arg18 : memref<!tpu.dma_semaphore, #tpu.memory_space<semaphore_mem>>) src(%arg8 : memref<256xf32, #tpu.memory_space<vmem>>) dst(%dma_wait3A_453 : memref<256xf32, #tpu.memory_space<hbm>>)
    %dma_wait3A_454 = arith.constant 0 : i32
    %dma_wait3A_455 = tpu.memref_slice %arg6[%add3A, %dma_wait3A_454] : memref<32x256xf32, #tpu.memory_space<hbm>> -> memref<1x256xf32, #tpu.memory_space<hbm>>
    %dma_wait3A_456 = tpu.memref_squeeze %dma_wait3A_455 : memref<1x256xf32, #tpu.memory_space<hbm>> -> memref<256xf32, #tpu.memory_space<hbm>>
    %dma_wait3A_457 = arith.constant 0 : i32
    %dma_wait3A_458 = tpu.memref_slice %arg6[%add3A, %dma_wait3A_457] : memref<32x256xf32, #tpu.memory_space<hbm>> -> memref<1x256xf32, #tpu.memory_space<hbm>>
    %dma_wait3A_459 = tpu.memref_squeeze %dma_wait3A_458 : memref<1x256xf32, #tpu.memory_space<hbm>> -> memref<256xf32, #tpu.memory_space<hbm>>
    tpu.wait_dma2 semaphore(%arg18 : memref<!tpu.dma_semaphore, #tpu.memory_space<semaphore_mem>>) src(%arg8 : memref<256xf32, #tpu.memory_space<vmem>>) dst(%dma_wait3A_459 : memref<256xf32, #tpu.memory_space<hbm>>)
    return
  }
}

</mosaic_0001>

<sc_bundles>
// kernel: _run.3.cloned.1.call-start
scs
__scs_entry_jumppad:
0x0: {  	(pc) =	sbr.rel $0x88, $3  }
0x1: {  	(tag) =	ssettag $0x0;
	lr =	simm.s32 $0x1  }
0x2: {  	[smem:$0x3F9F] =	sst lr;
	_ =	strace $0xD0000000  }
0x3: {  	_ = 	snop  }
0x4: {  	_ = 	snop  }
0x5: {  	_ = 	snop  }
0x6: {  	_ = 	snop  }
0x7: {  	_ = 	snop  }
__scs_overlays_trampoline_lowered:
0x8: {  	[smem:$0x3FAE] =	sst s0  }
0x9: {  	[smem:$0x3FAF] =	sst s1  }
0xa: {  	[smem:$0x3FB0] =	sst s2  }
0xb: {  	[smem:$0x3FB1] =	sst s3  }
0xc: {  	[smem:$0x3FB2] =	sst s4  }
0xd: {  	[smem:$0x3FB3] =	sst s5  }
0xe: {  	[smem:$0x3FB4] =	sst s6  }
0xf: {  	[smem:$0x3FB5] =	sst s7  }
0x10: {  	[smem:$0x3FB6] =	sst s8  }
0x11: {  	[smem:$0x3FB7] =	sst s9;
	s0 =	simm.s32 @!p0 $0x0  }
0x12: {  	s1 =	sld [smem:$0x3F9D];
	s0 =	simm.s32 @p0 $0x1  }
0x13: {  	[smem:$0x3FB8] =	sst s0;
	s0 =	simm.s32 @!p1 $0x0  }
0x14: {  	s2 =	sld [smem:$0x3F9C];
	s0 =	simm.s32 @p1 $0x1  }
0x15: {  	[smem:$0x3FB9] =	sst s0;
	s0 =	simm.s32 @!p2 $0x0  }
0x16: {  	s3 =	sld [smem:$0x3FDB];
	s0 =	simm.s32 @p2 $0x1  }
0x17: {  	s4 =	simm.s32 $0x1BF5;
	[smem:$0x3FBB] =	sst s0  }
0x18: {  	s0 =	sld [smem:$0x3F9E];
	_ =	swait.ge [sflag:s4], $0x0  }
0x19: {  	s7 =	sld [smem:$0x3F9F]  }
0x1a: {  	s8 =	sadd.s32 $0xFFFFE003, lr  }
0x1b: {  	s9 =	sadd.s32 $0xFFFFFEF7, lr;
	s5 =	simm.s32 $0xFFFFFFFF;
	p2 =	slt.u32 s8, $0xFFFFF086  }
0x1c: {  	p1 =	slt.u32 s9, $0xF7A;
	s5 =	simm.s32 @!p2 $0x0  }
0x1d: {  	s5 =	simm.s32 @p1 $0x1;
	p0 =	seq.s32 s7, s2  }
0x1e: {  	s7 =	smul.u32 @!p0 $0xF7A, s2;
	p2 =	seq.s32 @!p0 s5, $0x0  }
0x1f: {  	s9 =	smul.u32 $0xF7A, s1;
	s8 =	simm.s32 @!p0 $0x1BF5;
	p2 =	por !p2, p0  }
0x20: {  	[sflag:s8] =	ssyncset.s32 @!p0 $0xFFFFF086;
	s6 =	sadd.s32 @!p0 s3, s7;
	s7 =	simm.s32 @!p0 $0x108  }
0x21: {  	s3 =	sadd.s32 s3, s9;
	s6 =	sadd.s32 @!p0 $0x88, s6;
	s7 =	simm.s32 @p2 $0x1082  }
0x22: {  	[simem:s7], [sflag:s8] =	dma.local @!p0 [hbm:s6], $0xF7A  }
0x23: {  	s9 =	sor.u32 $0xD0000000, s2;
	s6 =	simm.s32 $0x108;
	_ =	swait.ge @!p0 [sflag:s8], $0x0  }
0x24: {  	s3 =	sadd.s32 $0x88, s3;
	s6 =	simm.s32 @!p1 $0x1082;
	[sflag:s4] =	ssyncset.s32 $0xFFFFF086  }
0x25: {  	[simem:s6], [sflag:s4] =	dma.local [hbm:s3], $0xF7A  }
0x26: {  	[smem:$0x3F9F] =	sst s1;
	(tag) =	ssettag s2;
	_ =	strace s9  }
0x27: {  	s1 =	sld [smem:$0x3FAF]  }
0x28: {  	s2 =	sld [smem:$0x3FB0]  }
0x29: {  	s4 =	sld [smem:$0x3FB2]  }
0x2a: {  	p0 =	seq.s32 s5, $0x0;
	s5 =	sld [smem:$0x3FB3]  }
0x2b: {  	s6 =	sld [smem:$0x3FB4]  }
0x2c: {  	s7 =	sld [smem:$0x3FB5]  }
0x2d: {  	s3 =	simm.s32 $0x108;
	s8 =	sld [smem:$0x3FB6]  }
0x2e: {  	s3 =	simm.s32 @!p0 $0x1082;
	s9 =	sld [smem:$0x3FB7]  }
0x2f: {  	lr =	sadd.s32 s0, s3;
	s0 =	sld [smem:$0x3FAE]  }
0x30: {  	s3 =	sld [smem:$0x3FB1]  }
0x31: {  	[smem:$0x3FBA] =	sst s10  }
0x32: {  	s10 =	sld [smem:$0x3FB8];
	_ =	sdelay $0x3  }
0x33: {  	p0 =	seq.s32 s10, $0x1;
	s10 =	sld [smem:$0x3FBA];
	_ =	sdelay $0x3  }
0x34: {  	[smem:$0x3FBA] =	sst s10  }
0x35: {  	s10 =	sld [smem:$0x3FB9];
	_ =	sdelay $0x3  }
0x36: {  	p1 =	seq.s32 s10, $0x1;
	s10 =	sld [smem:$0x3FBA];
	_ =	sdelay $0x3  }
0x37: {  	[smem:$0x3FBA] =	sst s10  }
0x38: {  	s10 =	sld [smem:$0x3FBB]  }
0x39: {  	_ = 	snop;
	(pc) =	sbr.ind lr, $3  }
0x3a: {  	_ = 	snop  }
0x3b: {  	_ = 	snop  }
0x3c: {  	p2 =	seq.s32 s10, $0x1;
	s10 =	sld [smem:$0x3FBA]  }
0x3d: {  	_ =	shalt  }
0x3e: {  	_ =	shalt  }
0x3f: {  	_ =	shalt  }
0x40: {  	_ =	shalt  }
0x41: {  	_ =	shalt  }
0x42: {  	_ =	shalt  }
0x43: {  	_ =	shalt  }
0x44: {  	_ =	shalt  }
0x45: {  	_ =	shalt  }
0x46: {  	_ =	shalt  }
0x47: {  	_ =	shalt  }
0x48: {  	_ =	shalt  }
0x49: {  	_ =	shalt  }
0x4a: {  	_ =	shalt  }
0x4b: {  	_ =	shalt  }
0x4c: {  	_ =	shalt  }
0x4d: {  	_ =	shalt  }
0x4e: {  	_ =	shalt  }
0x4f: {  	_ =	shalt  }
0x50: {  	_ =	shalt  }
0x51: {  	_ =	shalt  }
0x52: {  	_ =	shalt  }
0x53: {  	_ =	shalt  }
0x54: {  	_ =	shalt  }
0x55: {  	_ =	shalt  }
0x56: {  	_ =	shalt  }
0x57: {  	_ =	shalt  }
0x58: {  	_ =	shalt  }
0x59: {  	_ =	shalt  }
0x5a: {  	_ =	shalt  }
0x5b: {  	_ =	shalt  }
0x5c: {  	_ =	shalt  }
0x5d: {  	_ =	shalt  }
0x5e: {  	_ =	shalt  }
0x5f: {  	_ =	shalt  }
0x60: {  	_ =	shalt  }
0x61: {  	_ =	shalt  }
0x62: {  	_ =	shalt  }
0x63: {  	_ =	shalt  }
0x64: {  	_ =	shalt  }
0x65: {  	_ =	shalt  }
0x66: {  	_ =	shalt  }
0x67: {  	_ =	shalt  }
0x68: {  	_ =	shalt  }
0x69: {  	_ =	shalt  }
0x6a: {  	_ =	shalt  }
0x6b: {  	_ =	shalt  }
0x6c: {  	_ =	shalt  }
0x6d: {  	_ =	shalt  }
0x6e: {  	_ =	shalt  }
0x6f: {  	_ =	shalt  }
0x70: {  	_ =	shalt  }
0x71: {  	_ =	shalt  }
0x72: {  	_ =	shalt  }
0x73: {  	_ =	shalt  }
0x74: {  	_ =	shalt  }
0x75: {  	_ =	shalt  }
0x76: {  	_ =	shalt  }
0x77: {  	_ =	shalt  }
0x78: {  	_ =	shalt  }
0x79: {  	_ =	shalt  }
0x7a: {  	_ =	shalt  }
0x7b: {  	_ =	shalt  }
0x7c: {  	_ =	shalt  }
0x7d: {  	_ =	shalt  }
0x7e: {  	_ =	shalt  }
0x7f: {  	_ =	shalt  }
0x80: {  	_ =	shalt  }
0x81: {  	_ =	shalt  }
0x82: {  	_ =	shalt  }
0x83: {  	_ =	shalt  }
0x84: {  	_ =	shalt  }
0x85: {  	_ =	shalt  }
0x86: {  	_ =	shalt  }
0x87: {  	_ =	shalt  }
.Lfunc_end0:
.L_simem_size_0:
called_computation_lowered:
.L_overlay_start_0:
0x88: {  	s2 =	sld [smem:$0x3FD9]  }
0x89: {  	s3 =	sld [smem:$0x3FFE];
	_ =	sdelay $0x1  }
0x8a: {  	s1 =	srdreg.scid  }
0x8b: {  	s0 =	sand.u32 $0x1, s1  }
0x8c: {  	s15 =	sshll.u32 s0, $0xA;
	s2 =	sadd.s32 s3, s2  }
0x8d: {  	s2 =	sadd.s32 s2, s15  }
0x8e: {  	[smem:$0x3FC6] =	sst s2  }
0x8f: {  	_ = 	snop  }
0x90: {  	s2 =	sld [smem:$0x3FD0];
	_ =	sdelay $0x1  }
0x91: {  	s16 =	sld [smem:$0x3FC9]  }
0x92: {  	s5 =	simm.s32 $0xA;
	s6 =	simm.s32 $0x10;
	s4 =	sld [smem:$0x3FC8]  }
0x93: {  	[smem:s6], [sflag:s5] =	dma.local [hbm:s2], $0x1  }
0x94: {  	_ =	swait.eq [sflag:s5], $0x1  }
0x95: {  	s17 =	sld [smem:$0x10];
	[sflag:s5] =	ssyncset.done $0x0  }
0x96: {  	s18 =	sld [smem:$0x11];
	[sflag:s5] =	ssyncadd.s32 $0xFFFFFFFF  }
0x97: {  	s19 =	sld [smem:$0x12];
	(tm) =	ssettm $0x1  }
0x98: {  	s7 =	sld [smem:$0x3FFB];
	_ =	sdelay $0x3  }
0x99: {  	_ =	strace s7  }
0x9a: {  	s7 =	sld [smem:$0x3FFC];
	_ =	sdelay $0x3  }
0x9b: {  	_ =	strace s7  }
0x9c: {  	s7 =	sld [smem:$0x3FFD];
	_ =	sdelay $0x3  }
0x9d: {  	_ =	strace s7  }
0x9e: {  	_ =	strace $0x8FFFFFFF  }
0x9f: {  	s20 =	sld [smem:$0x3FDB];
	_ =	sdelay $0x1  }
0xa0: {  	s8 =	simm.s32 $_scs_section_size  }
0xa1: {  	s9 =	simm.s32 $_size__tile_overlayer_lowered;
	s10 =	simm.s32 $_tile_overlayer_lowered  }
0xa2: {  	s23 =	simm.s32 $0x1BFF;
	s22 =	sshll.u32 s10, $0x1;
	s7 =	sadd.s32 s8, s20  }
0xa3: {  	s11 =	simm.s32 $0x0;
	s21 =	sshll.u32 s9, $0x1;
	s9 =	sadd.s32 s22, s7  }
0xa4: {  	[timem:s11], [sflag:s23] =	dma.local [hbm:s9], s21  }
0xa5: {  	_ =	swait.ge [sflag:s23], s21  }
0xa6: {  	s8 =	ssub.s32 $0x0, s21;
	[sflag:s23] =	ssyncset.done $0x0  }
0xa7: {  	[sflag:s23] =	ssyncadd.s32 s8;
	_ =	sdelay $0x1  }
0xa8: {  	s24 =	simm.s32 $0x1B8B  }
0xa9: {  	_ =	swait.ge [sflag:s24], $0x1  }
0xaa: {  	[sflag:s24] =	ssyncset.done $0x0  }
0xab: {  	s25 =	simm.s32 $0x1B8E;
	[sflag:s24] =	ssyncadd.s32 $0xFFFFFFFF  }
0xac: {  	s26 =	simm.s32 $execute0_lowered;
	[smem:$0x3FD2] =	sst s25  }
0xad: {  	s8 =	sshll.u32 s26, $0x1;
	_ =	strace $0x80000046;
	[dreg:$0x1] =	wrdreg $0xFFFFFFFF  }
0xae: {  	s28 =	simm.s32 $_size_execute0_lowered;
	s7 =	sadd.s32 s7, s8;
	[dreg:$0x0] =	wrdreg $0x0  }
0xaf: {  	s8 =	sshll.u32 s28, $0x1;
	[dreg:$0x2] =	wrdreg s7  }
0xb0: {  	[dreg:$0x3] =	wrdreg s8  }
0xb1: {  	[dreg:$0x4] =	wrdreg $0xC0  }
0xb2: {  	_ =	task [dreg:s11], $0x5FFFF  }
0xb3: {  	[dreg:$0x1] =	wrdreg $0xFFFFFFFF  }
0xb4: {  	[dreg:$0x0] =	wrdreg $0x60  }
0xb5: {  	[dreg:$0x2] =	wrdreg s16  }
0xb6: {  	[dreg:$0x3] =	wrdreg s4  }
0xb7: {  	[dreg:$0x4] =	wrdreg s17  }
0xb8: {  	[dreg:$0x5] =	wrdreg s18  }
0xb9: {  	[dreg:$0x6] =	wrdreg s19  }
0xba: {  	[dreg:$0x7] =	wrdreg $0x9  }
0xbb: {  	_ =	task.clear_ibuf [dreg:s11], $0x8FFFF;
	_ =	strace $0x90000046  }
0xbc: {  	s29 =	simm.s32 $0x9;
	_ =	strace $0x80000048  }
0xbd: {  	_ =	swait.ge [sflag:s29], $0x1  }
0xbe: {  	[sflag:s29] =	ssyncadd.s32 $0xFFFFFFFF  }
0xbf: {  	_ =	strace $0x90000048  }
0xc0: {  	_ =	sfence  }
0xc1: {  	s30 =	sld [smem:$0x0];
	_ =	sdelay $0x2  }
0xc2: {  	s31 =	sshll.u32 s1, $0xD;
	s1 =	sshrl.u32 s1, $0x2  }
0xc3: {  	s3 =	sand.u32 $0x4000, s31;
	s1 =	sadd.s32 s1, s30  }
0xc4: {  	s0 =	sor.u32 s3, s0;
	s1 =	sshll.u32 s1, $0x11  }
0xc5: {  	s0 =	sor.u32 s1, s0  }
0xc6: {  	s0 =	sadd.s32 $0x8F2B, s0  }
0xc7: {  	[sflag:s0] =	ssyncadd.remote.s32 $0x1  }
0xc8: {  	_ =	sfence.sel $0xFFFF  }
0xc9: {  	[dreg:$0x0] =	wrdreg $0xFFFFFFFF;
	(pc) =	sbr.abs _section_cstart, $3  }
0xca: {  	[dreg:$0x1] =	wrdreg $0xFFFFFFFF  }
0xcb: {  	_ =	task.clear_ibuf [dreg:s11], $0x2FFFF;
	_ =	strace $0x9FFFFFFF  }
0xcc: {  	(tm) =	ssettm $0x7FFFFFFF  }
0xcd: {  	_ =	shalt  }
tec
execute0_lowered:
.L_overlay_start_1:
0x0: {  	(tag) =	ssettag $0x1  }
0x1: {  	s9 =	rddreg [dreg:$0x0]  }
0x2: {  	s0 =	srdreg.scid;
	s4 =	stileid.u32  }
0x3: {  	s1 =	rddreg [dreg:$0x1];
	s2 =	sand.u32 $0x1, s0;
	s13 =	sshll.u32 s4, $0x1  }
0x4: {  	s3 =	rddreg [dreg:$0x2];
	s10 =	sor.u32 s2, s13  }
0x5: {  	s5 =	rddreg [dreg:$0x3];
	s7 =	sshll.u32 s4, $0x6;
	s8 =	sshll.u32 s10, $0x4  }
0x6: {  	s6 =	rddreg [dreg:$0x4];
	s7 =	sand.u32 $0x300, s7;
	s8 =	sand.u32 $0x70, s8  }
0x7: {  	s4 =	simm.s32 $0x0;
	[dreg:$0x18] =	wrdreg s2;
	s7 =	sor.u32 s7, s8  }
0x8: {  	[smem:$0x7FF] =	sst s4;
	s1 =	sadd.s32 s1, s7  }
0x9: {  	_ =	strace $0x80000047;
	s14 =	sadd.s32 s5, s7;
	[dreg:$0x6] =	wrdreg s1  }
0xa: {  	s15 =	sadd.s32 s6, s7;
	[dreg:$0x7] =	wrdreg s14  }
0xb: {  	s17 =	simm.s32 $0x8;
	[dreg:$0x8] =	wrdreg s15  }
0xc: {  	s6 =	simm.s32 $0x80;
	s7 =	simm.s32 $0x400;
	s16 =	rddreg [dreg:$0x6]  }
0xd: {  	[tilespmem:s4], [sflag:$0x8] =	stream.strided.gather [hbm4b:s16+s6], $0x100, s7, s6, $0x38;
	[tilespmem:$0x18200] =	vst v63  }
0xe: {  	_ =	swait.ge [sflag:s17], $0x100  }
0xf: {  	[sflag:s17] =	ssyncset.done $0x0  }
0x10: {  	[sflag:s17] =	ssyncadd.s32 $0xFFFFFF00  }
0x11: {  	v0 =	vld [tilespmem:$0x0]  }
0x12: {  	v1 =	vld [tilespmem:$0x10];
	_ =	sdelay $0x1  }
0x13: {  	v2 =	vld [tilespmem:$0x20];
	_ =	sdelay $0x1  }
0x14: {  	v3 =	vld [tilespmem:$0x30]  }
0x15: {  	vm0 =	vgt.f32 v1, v0  }
0x16: {  	v0 =	vsel vm0, v1, v0;
	v1 =	vld [tilespmem:$0x40]  }
0x17: {  	vm1 =	vgt.f32 v2, v0  }
0x18: {  	v0 =	vsel vm1, v2, v0;
	v2 =	vld [tilespmem:$0x50]  }
0x19: {  	vm2 =	vgt.f32 v3, v0  }
0x1a: {  	v0 =	vsel vm2, v3, v0;
	v3 =	vld [tilespmem:$0x60]  }
0x1b: {  	vm3 =	vgt.f32 v1, v0  }
0x1c: {  	v0 =	vsel vm3, v1, v0;
	v1 =	vld [tilespmem:$0x70]  }
0x1d: {  	vm4 =	vgt.f32 v2, v0  }
0x1e: {  	v4 =	vld [tilespmem:$0x80];
	v0 =	vsel vm4, v2, v0  }
0x1f: {  	vm5 =	vgt.f32 v3, v0  }
0x20: {  	v5 =	vld [tilespmem:$0x90];
	v2 =	vsel vm5, v3, v0  }
0x21: {  	vm6 =	vgt.f32 v1, v2  }
0x22: {  	v7 =	vld [tilespmem:$0xA0];
	v0 =	vlaneseq.u32;
	v3 =	vsel vm6, v1, v2  }
0x23: {  	v1 =	vor.u32 $0x10, v0;
	vm7 =	vgt.f32 v4, v3  }
0x24: {  	v9 =	vld [tilespmem:$0xB0];
	v2 =	vor.u32 $0x20, v0;
	v6 =	vsel vm0, v1, v0;
	v8 =	vsel vm7, v4, v3  }
0x25: {  	v3 =	vor.u32 $0x30, v0;
	v4 =	vsel vm1, v2, v6;
	vm0 =	vgt.f32 v5, v8  }
0x26: {  	v11 =	vld [tilespmem:$0xC0];
	v6 =	vsel vm2, v3, v4;
	v4 =	vor.u32 $0x40, v0;
	v8 =	vsel vm0, v5, v8  }
0x27: {  	v5 =	vor.u32 $0x50, v0;
	v6 =	vsel vm3, v4, v6;
	vm1 =	vgt.f32 v7, v8  }
0x28: {  	v13 =	vld [tilespmem:$0xD0];
	v10 =	vsel vm4, v5, v6;
	v6 =	vor.u32 $0x60, v0;
	v12 =	vsel vm1, v7, v8  }
0x29: {  	v7 =	vor.u32 $0x70, v0;
	v8 =	vsel vm5, v6, v10;
	vm2 =	vgt.f32 v9, v12  }
0x2a: {  	v15 =	vld [tilespmem:$0xE0];
	v10 =	vsel vm6, v7, v8;
	v8 =	vor.u32 $0x80, v0;
	v12 =	vsel vm2, v9, v12  }
0x2b: {  	v9 =	vor.u32 $0x90, v0;
	v10 =	vsel vm7, v8, v10;
	vm3 =	vgt.f32 v11, v12  }
0x2c: {  	v17 =	vld [tilespmem:$0xF0];
	v14 =	vsel vm0, v9, v10;
	v10 =	vor.u32 $0xA0, v0;
	v16 =	vsel vm3, v11, v12  }
0x2d: {  	v11 =	vor.u32 $0xB0, v0;
	v12 =	vsel vm1, v10, v14;
	vm0 =	vgt.f32 v13, v16  }
0x2e: {  	v14 =	vsel vm2, v11, v12;
	v12 =	vor.u32 $0xC0, v0;
	v16 =	vsel vm0, v13, v16  }
0x2f: {  	v13 =	vor.u32 $0xD0, v0;
	v18 =	vsel vm3, v12, v14;
	vm1 =	vgt.f32 v15, v16  }
0x30: {  	v14 =	vor.u32 $0xE0, v0;
	v18 =	vsel vm0, v13, v18;
	v16 =	vsel vm1, v15, v16  }
0x31: {  	v15 =	vor.u32 $0xF0, v0;
	v18 =	vsel vm1, v14, v18;
	vm0 =	vgt.f32 v17, v16  }
0x32: {  	v16 =	vsel vm0, v17, v16;
	v17 =	vsel vm0, v15, v18  }
0x33: {  	(xrf1) =	vsort.ascd.msk.f32 $0xffff, v16, v17;
	_ =	sdelay $0xd  }
0x34: {  	v18, _, _ =	vpop (xrf1)  }
0x35: {  	v18 =	vbroadcast v18, $0xF;
	_ =	sdelay $0x1  }
0x36: {  	vm0 =	veq.f32 v16, v18  }
0x37: {  	v16 =	vnsel vm0, $0x100, v17  }
0x38: {  	v17 =	vxor.u32 $0x80000000, v16  }
0x39: {  	(xrf1) =	vsort.ascd.msk.u32 $0xffff, v17, v16;
	_ =	sdelay $0xd  }
0x3a: {  	v16, _, _ =	vpop (xrf1)  }
0x3b: {  	(v2sf) =	vpush v16, $0x0;
	_ =	sdelay $0xe  }
0x3c: {  	s18 =	spop (v2sf)  }
0x3d: {  	s1 =	sxor.u32 $0x80000000, s18  }
0x3e: {  	v16 =	vmul.u32 $0x1000, v0;
	v23 =	vmov s1  }
0x3f: {  	v27 =	vshll.u32 v23, $0x4  }
0x40: {  	v17 =	vadd.s32 v16, v27  }
0x41: {  	v26 =	vand.u32 $0x7, v23;
	v18 =	vand.u32 $0xFFFFFF80, v17  }
0x42: {  	v19 =	vshrl.u32 v0, $0x3;
	v17 =	vand.u32 $0x7, v0;
	v20 =	vor.u32 v26, v18  }
0x43: {  	v18 =	vmul.u32 $0x8, v19;
	v19 =	vperm.xlane v20, v17;
	_ =	sdelay $0x1  }
0x44: {  	v21 =	vadd.s32 v18, v19;
	_ =	sdelay $0x3  }
0x45: {  	s19 =	simm.s32 $0x200;
	vm0 =	vmmov $0xffff  }
0x46: {  	[tilespmem:s19], [sflag:$0x1] =	stream.indirect_vreg.gather [hbm4b:s9+s4], $0x80, v21, vm0, $0xb8;
	[tilespmem:$0x18200] =	vst v63  }
0x47: {  	s20 =	simm.s32 $0xA00;
	s11 =	sadd.s32 $0x100, s9  }
0x48: {  	[tilespmem:s20], [sflag:$0x1] =	stream.indirect_vreg.gather [hbm4b:s11+s4], $0x80, v21, vm0, $0xb8;
	[tilespmem:$0x18200] =	vst v63  }
0x49: {  	s21 =	simm.s32 $0x1200;
	s13 =	sadd.s32 $0x200, s9  }
0x4a: {  	[tilespmem:s21], [sflag:$0x1] =	stream.indirect_vreg.gather [hbm4b:s13+s4], $0x80, v21, vm0, $0xb8;
	[tilespmem:$0x18200] =	vst v63  }
0x4b: {  	s22 =	simm.s32 $0x1A00;
	s15 =	sadd.s32 $0x300, s9  }
0x4c: {  	[tilespmem:s22], [sflag:$0x1] =	stream.indirect_vreg.gather [hbm4b:s15+s4], $0x80, v21, vm0, $0xb8;
	[tilespmem:$0x18200] =	vst v63  }
0x4d: {  	s23 =	simm.s32 $0x2200;
	s17 =	sadd.s32 $0x400, s9  }
0x4e: {  	v19 =	vor.u32 $0x8, v0;
	[tilespmem:s23], [sflag:$0x1] =	stream.indirect_vreg.gather [hbm4b:s17+s4], $0x80, v21, vm0, $0xb8;
	[tilespmem:$0x18200] =	vst v63  }
0x4f: {  	s24 =	simm.s32 $0x2A00;
	v20 =	vperm.xlane v20, v19;
	s19 =	sadd.s32 $0x500, s9  }
0x50: {  	[tilespmem:s24], [sflag:$0x1] =	stream.indirect_vreg.gather [hbm4b:s19+s4], $0x80, v21, vm0, $0xb8;
	[tilespmem:$0x18200] =	vst v63  }
0x51: {  	s25 =	simm.s32 $0x3200;
	v22 =	vadd.s32 v18, v20;
	s21 =	sadd.s32 $0x600, s9  }
0x52: {  	[tilespmem:s25], [sflag:$0x1] =	stream.indirect_vreg.gather [hbm4b:s21+s4], $0x80, v21, vm0, $0xb8;
	[tilespmem:$0x18200] =	vst v63  }
0x53: {  	s26 =	simm.s32 $0x3A00;
	s31 =	sadd.s32 $0x700, s9  }
0x54: {  	[tilespmem:s26], [sflag:$0x1] =	stream.indirect_vreg.gather [hbm4b:s31+s4], $0x80, v21, vm0, $0xb8;
	[tilespmem:$0x18200] =	vst v63  }
0x55: {  	s28 =	simm.s32 $0x4200  }
0x56: {  	[tilespmem:s28], [sflag:$0x1] =	stream.indirect_vreg.gather [hbm4b:s9+s4], $0x80, v22, vm0, $0xb8;
	[tilespmem:$0x18200] =	vst v63  }
0x57: {  	s29 =	simm.s32 $0x4A00  }
0x58: {  	[tilespmem:s29], [sflag:$0x1] =	stream.indirect_vreg.gather [hbm4b:s11+s4], $0x80, v22, vm0, $0xb8;
	[tilespmem:$0x18200] =	vst v63  }
0x59: {  	s30 =	simm.s32 $0x5200  }
0x5a: {  	[tilespmem:s30], [sflag:$0x1] =	stream.indirect_vreg.gather [hbm4b:s13+s4], $0x80, v22, vm0, $0xb8;
	[tilespmem:$0x18200] =	vst v63  }
0x5b: {  	s1 =	simm.s32 $0x5A00;
	v20 =	vor.u32 $0x10000, v16  }
0x5c: {  	v21 =	vadd.s32 v20, v27;
	[tilespmem:s1], [sflag:$0x1] =	stream.indirect_vreg.gather [hbm4b:s15+s4], $0x80, v22, vm0, $0xb8;
	[tilespmem:$0x18200] =	vst v63  }
0x5d: {  	s2 =	simm.s32 $0x6200;
	v21 =	vand.u32 $0xFFFFFF80, v21  }
0x5e: {  	v21 =	vor.u32 v26, v21;
	[tilespmem:s2], [sflag:$0x1] =	stream.indirect_vreg.gather [hbm4b:s17+s4], $0x80, v22, vm0, $0xb8;
	[tilespmem:$0x18200] =	vst v63  }
0x5f: {  	s5 =	simm.s32 $0x6A00;
	v24 =	vperm.xlane v21, v17  }
0x60: {  	[tilespmem:s5], [sflag:$0x1] =	stream.indirect_vreg.gather [hbm4b:s19+s4], $0x80, v22, vm0, $0xb8;
	[tilespmem:$0x18200] =	vst v63  }
0x61: {  	s8 =	simm.s32 $0x7200;
	v24 =	vadd.s32 v18, v24  }
0x62: {  	[tilespmem:s8], [sflag:$0x1] =	stream.indirect_vreg.gather [hbm4b:s21+s4], $0x80, v22, vm0, $0xb8;
	[tilespmem:$0x18200] =	vst v63  }
0x63: {  	s12 =	simm.s32 $0x7A00  }
0x64: {  	[tilespmem:s12], [sflag:$0x1] =	stream.indirect_vreg.gather [hbm4b:s31+s4], $0x80, v22, vm0, $0xb8;
	[tilespmem:$0x18200] =	vst v63  }
0x65: {  	s14 =	simm.s32 $0x8200  }
0x66: {  	[tilespmem:s14], [sflag:$0x2] =	stream.indirect_vreg.gather [hbm4b:s9+s4], $0x80, v24, vm0, $0xb8;
	[tilespmem:$0x18200] =	vst v63  }
0x67: {  	s16 =	simm.s32 $0x8A00  }
0x68: {  	[tilespmem:s16], [sflag:$0x2] =	stream.indirect_vreg.gather [hbm4b:s11+s4], $0x80, v24, vm0, $0xb8;
	[tilespmem:$0x18200] =	vst v63  }
0x69: {  	s18 =	simm.s32 $0x9200  }
0x6a: {  	[tilespmem:s18], [sflag:$0x2] =	stream.indirect_vreg.gather [hbm4b:s13+s4], $0x80, v24, vm0, $0xb8;
	[tilespmem:$0x18200] =	vst v63  }
0x6b: {  	s20 =	simm.s32 $0x9A00  }
0x6c: {  	[tilespmem:s20], [sflag:$0x2] =	stream.indirect_vreg.gather [hbm4b:s15+s4], $0x80, v24, vm0, $0xb8;
	[tilespmem:$0x18200] =	vst v63  }
0x6d: {  	s22 =	simm.s32 $0xA200  }
0x6e: {  	[tilespmem:s22], [sflag:$0x2] =	stream.indirect_vreg.gather [hbm4b:s17+s4], $0x80, v24, vm0, $0xb8;
	[tilespmem:$0x18200] =	vst v63  }
0x6f: {  	s23 =	simm.s32 $0xAA00;
	v21 =	vperm.xlane v21, v19  }
0x70: {  	[tilespmem:s23], [sflag:$0x2] =	stream.indirect_vreg.gather [hbm4b:s19+s4], $0x80, v24, vm0, $0xb8;
	[tilespmem:$0x18200] =	vst v63  }
0x71: {  	s24 =	simm.s32 $0xB200;
	v22 =	vadd.s32 v18, v21  }
0x72: {  	[tilespmem:s24], [sflag:$0x2] =	stream.indirect_vreg.gather [hbm4b:s21+s4], $0x80, v24, vm0, $0xb8;
	[tilespmem:$0x18200] =	vst v63  }
0x73: {  	s25 =	simm.s32 $0xBA00  }
0x74: {  	[tilespmem:s25], [sflag:$0x2] =	stream.indirect_vreg.gather [hbm4b:s31+s4], $0x80, v24, vm0, $0xb8;
	[tilespmem:$0x18200] =	vst v63  }
0x75: {  	s26 =	simm.s32 $0xC200  }
0x76: {  	[tilespmem:s26], [sflag:$0x2] =	stream.indirect_vreg.gather [hbm4b:s9+s4], $0x80, v22, vm0, $0xb8;
	[tilespmem:$0x18200] =	vst v63  }
0x77: {  	s28 =	simm.s32 $0xCA00  }
0x78: {  	[tilespmem:s28], [sflag:$0x2] =	stream.indirect_vreg.gather [hbm4b:s11+s4], $0x80, v22, vm0, $0xb8;
	[tilespmem:$0x18200] =	vst v63  }
0x79: {  	s29 =	simm.s32 $0xD200  }
0x7a: {  	[tilespmem:s29], [sflag:$0x2] =	stream.indirect_vreg.gather [hbm4b:s13+s4], $0x80, v22, vm0, $0xb8;
	[tilespmem:$0x18200] =	vst v63  }
0x7b: {  	s30 =	simm.s32 $0xDA00  }
0x7c: {  	[tilespmem:s30], [sflag:$0x2] =	stream.indirect_vreg.gather [hbm4b:s15+s4], $0x80, v22, vm0, $0xb8;
	[tilespmem:$0x18200] =	vst v63  }
0x7d: {  	s1 =	simm.s32 $0xE200  }
0x7e: {  	[tilespmem:s1], [sflag:$0x2] =	stream.indirect_vreg.gather [hbm4b:s17+s4], $0x80, v22, vm0, $0xb8;
	[tilespmem:$0x18200] =	vst v63  }
0x7f: {  	s2 =	simm.s32 $0xEA00  }
0x80: {  	[tilespmem:s2], [sflag:$0x2] =	stream.indirect_vreg.gather [hbm4b:s19+s4], $0x80, v22, vm0, $0xb8;
	[tilespmem:$0x18200] =	vst v63  }
0x81: {  	s5 =	simm.s32 $0xF200  }
0x82: {  	[tilespmem:s5], [sflag:$0x2] =	stream.indirect_vreg.gather [hbm4b:s21+s4], $0x80, v22, vm0, $0xb8;
	[tilespmem:$0x18200] =	vst v63  }
0x83: {  	vm1 =	veq.s32 v23, v15;
	s8 =	simm.s32 $0xFA00;
	v21 =	vimm.f32 $0.0e+00  }
0x84: {  	v24 =	vsel vm1, $0x3F800000, v21;
	vm1 =	veq.s32 v23, v14;
	[tilespmem:s8], [sflag:$0x2] =	stream.indirect_vreg.gather [hbm4b:s31+s4], $0x80, v22, vm0, $0xb8;
	[tilespmem:$0x18200] =	vst v63  }
0x85: {  	v22 =	vsel vm1, $0x3F800000, v21;
	vm1 =	veq.s32 v23, v13;
	[tilespmem:$0x1F0] =	vst v24  }
0x86: {  	v24 =	vsel vm1, $0x3F800000, v21;
	vm1 =	veq.s32 v23, v12;
	[tilespmem:$0x1E0] =	vst v22  }
0x87: {  	v22 =	vsel vm1, $0x3F800000, v21;
	vm1 =	veq.s32 v23, v11;
	[tilespmem:$0x1D0] =	vst v24  }
0x88: {  	v24 =	vsel vm1, $0x3F800000, v21;
	vm1 =	veq.s32 v23, v10;
	[tilespmem:$0x1C0] =	vst v22  }
0x89: {  	v22 =	vsel vm1, $0x3F800000, v21;
	vm1 =	veq.s32 v23, v9;
	[tilespmem:$0x1B0] =	vst v24  }
0x8a: {  	v24 =	vsel vm1, $0x3F800000, v21;
	vm1 =	veq.s32 v23, v8;
	[tilespmem:$0x1A0] =	vst v22  }
0x8b: {  	v22 =	vsel vm1, $0x3F800000, v21;
	vm1 =	veq.s32 v23, v7;
	[tilespmem:$0x190] =	vst v24  }
0x8c: {  	v24 =	vsel vm1, $0x3F800000, v21;
	vm1 =	veq.s32 v23, v6;
	[tilespmem:$0x180] =	vst v22  }
0x8d: {  	v25 =	vsel vm1, $0x3F800000, v21;
	vm1 =	veq.s32 v23, v5;
	[tilespmem:$0x170] =	vst v24  }
0x8e: {  	v22 =	vor.u32 $0x20000, v16;
	v24 =	vsel vm1, $0x3F800000, v21;
	vm1 =	veq.s32 v23, v4;
	[tilespmem:$0x160] =	vst v25  }
0x8f: {  	v28 =	vadd.s32 v22, v27;
	v25 =	vsel vm1, $0x3F800000, v21;
	vm1 =	veq.s32 v23, v3;
	[tilespmem:$0x150] =	vst v24  }
0x90: {  	v28 =	vand.u32 $0xFFFFFF80, v28;
	v24 =	vsel vm1, $0x3F800000, v21;
	vm1 =	veq.s32 v23, v2;
	[tilespmem:$0x140] =	vst v25  }
0x91: {  	v28 =	vor.u32 v26, v28;
	v25 =	vsel vm1, $0x3F800000, v21;
	vm1 =	veq.s32 v23, v0;
	[tilespmem:$0x130] =	vst v24  }
0x92: {  	v24 =	vsel vm1, $0x3F800000, v21;
	vm1 =	veq.s32 v23, v1;
	v23 =	vperm.xlane v28, v17;
	[tilespmem:$0x120] =	vst v25  }
0x93: {  	v25 =	vsel vm1, $0x3F800000, v21;
	[tilespmem:$0x100] =	vst v24  }
0x94: {  	s12 =	rddreg [dreg:$0x7];
	s14 =	simm.s32 $0x100;
	v23 =	vadd.s32 v18, v23;
	[tilespmem:$0x110] =	vst v25  }
0x95: {  	[hbm4b:s12+s6] =	stream.strided.scatter [tilespmem:s14], [sflag:$0x7], $0x100, s7, s6, $0x38;
	[tilespmem:$0x18200] =	vst v63  }
0x96: {  	s16 =	rddreg [dreg:$0x8]  }
0x97: {  	[hbm4b:s16+s6] =	stream.strided.scatter [tilespmem:s14], [sflag:$0x7], $0x100, s7, s6, $0x38;
	[tilespmem:$0x18200] =	vst v63  }
0x98: {  	s18 =	simm.s32 $0x10200  }
0x99: {  	[tilespmem:s18], [sflag:$0x3] =	stream.indirect_vreg.gather [hbm4b:s9+s4], $0x80, v23, vm0, $0xb8;
	[tilespmem:$0x18200] =	vst v63  }
0x9a: {  	s20 =	simm.s32 $0x10A00  }
0x9b: {  	[tilespmem:s20], [sflag:$0x3] =	stream.indirect_vreg.gather [hbm4b:s11+s4], $0x80, v23, vm0, $0xb8;
	[tilespmem:$0x18200] =	vst v63  }
0x9c: {  	s22 =	simm.s32 $0x11200  }
0x9d: {  	[tilespmem:s22], [sflag:$0x3] =	stream.indirect_vreg.gather [hbm4b:s13+s4], $0x80, v23, vm0, $0xb8;
	[tilespmem:$0x18200] =	vst v63  }
0x9e: {  	s23 =	simm.s32 $0x11A00  }
0x9f: {  	[tilespmem:s23], [sflag:$0x3] =	stream.indirect_vreg.gather [hbm4b:s15+s4], $0x80, v23, vm0, $0xb8;
	[tilespmem:$0x18200] =	vst v63  }
0xa0: {  	s24 =	simm.s32 $0x12200  }
0xa1: {  	[tilespmem:s24], [sflag:$0x3] =	stream.indirect_vreg.gather [hbm4b:s17+s4], $0x80, v23, vm0, $0xb8;
	[tilespmem:$0x18200] =	vst v63  }
0xa2: {  	s25 =	simm.s32 $0x12A00;
	v24 =	vperm.xlane v28, v19  }
0xa3: {  	[tilespmem:s25], [sflag:$0x3] =	stream.indirect_vreg.gather [hbm4b:s19+s4], $0x80, v23, vm0, $0xb8;
	[tilespmem:$0x18200] =	vst v63  }
0xa4: {  	s26 =	simm.s32 $0x13200;
	v24 =	vadd.s32 v18, v24  }
0xa5: {  	[tilespmem:s26], [sflag:$0x3] =	stream.indirect_vreg.gather [hbm4b:s21+s4], $0x80, v23, vm0, $0xb8;
	[tilespmem:$0x18200] =	vst v63  }
0xa6: {  	s28 =	simm.s32 $0x13A00  }
0xa7: {  	[tilespmem:s28], [sflag:$0x3] =	stream.indirect_vreg.gather [hbm4b:s31+s4], $0x80, v23, vm0, $0xb8;
	[tilespmem:$0x18200] =	vst v63  }
0xa8: {  	s29 =	simm.s32 $0x14200  }
0xa9: {  	[tilespmem:s29], [sflag:$0x3] =	stream.indirect_vreg.gather [hbm4b:s9+s4], $0x80, v24, vm0, $0xb8;
	[tilespmem:$0x18200] =	vst v63  }
0xaa: {  	s30 =	simm.s32 $0x14A00  }
0xab: {  	[tilespmem:s30], [sflag:$0x3] =	stream.indirect_vreg.gather [hbm4b:s11+s4], $0x80, v24, vm0, $0xb8;
	[tilespmem:$0x18200] =	vst v63  }
0xac: {  	s1 =	simm.s32 $0x15200  }
0xad: {  	[tilespmem:s1], [sflag:$0x3] =	stream.indirect_vreg.gather [hbm4b:s13+s4], $0x80, v24, vm0, $0xb8;
	[tilespmem:$0x18200] =	vst v63  }
0xae: {  	s2 =	simm.s32 $0x15A00  }
0xaf: {  	v30 =	vmul.u32 $0x200, v0;
	v23 =	vmov s10;
	[tilespmem:s2], [sflag:$0x3] =	stream.indirect_vreg.gather [hbm4b:s15+s4], $0x80, v24, vm0, $0xb8;
	[tilespmem:$0x18200] =	vst v63  }
0xb0: {  	s5 =	simm.s32 $0x16200;
	v31 =	vshll.u32 v23, $0x4  }
0xb1: {  	v25 =	vor.u32 v30, v31;
	[tilespmem:s5], [sflag:$0x3] =	stream.indirect_vreg.gather [hbm4b:s17+s4], $0x80, v24, vm0, $0xb8;
	[tilespmem:$0x18200] =	vst v63  }
0xb2: {  	s6 =	simm.s32 $0x16A00;
	v32 =	vand.u32 $0x7, v23;
	v23 =	vand.u32 $0x7FFFFF80, v25  }
0xb3: {  	v25 =	vor.u32 v32, v23;
	[tilespmem:s6], [sflag:$0x3] =	stream.indirect_vreg.gather [hbm4b:s19+s4], $0x80, v24, vm0, $0xb8;
	[tilespmem:$0x18200] =	vst v63  }
0xb4: {  	s7 =	simm.s32 $0x17200;
	v23 =	vperm.xlane v25, v17  }
0xb5: {  	[tilespmem:s7], [sflag:$0x3] =	stream.indirect_vreg.gather [hbm4b:s21+s4], $0x80, v24, vm0, $0xb8;
	[tilespmem:$0x18200] =	vst v63  }
0xb6: {  	s8 =	simm.s32 $0x17A00;
	s9 =	simm.s32 $0x1;
	v23 =	vadd.s32 v18, v23  }
0xb7: {  	[tilespmem:s8], [sflag:$0x3] =	stream.indirect_vreg.gather [hbm4b:s31+s4], $0x80, v24, vm0, $0xb8;
	[tilespmem:$0x18200] =	vst v63  }
0xb8: {  	_ =	swait.ge [sflag:s9], $0x8000  }
0xb9: {  	[sflag:s9] =	ssyncset.done $0x0  }
0xba: {  	s10 =	simm.s32 $0x200;
	[sflag:s9] =	ssyncadd.s32 $0xFFFF8000  }
0xbb: {  	[hbm4b:s3+s4] =	stream.indirect_vreg.scatter [tilespmem:s10], [sflag:$0x4], $0x80, v23, vm0, $0xb8;
	[tilespmem:$0x18200] =	vst v63  }
0xbc: {  	s12 =	simm.s32 $0xA00;
	s1 =	sadd.s32 $0x100, s3  }
0xbd: {  	[hbm4b:s1+s4] =	stream.indirect_vreg.scatter [tilespmem:s12], [sflag:$0x4], $0x80, v23, vm0, $0xb8;
	[tilespmem:$0x18200] =	vst v63  }
0xbe: {  	s14 =	simm.s32 $0x1200;
	s5 =	sadd.s32 $0x200, s3  }
0xbf: {  	[hbm4b:s5+s4] =	stream.indirect_vreg.scatter [tilespmem:s14], [sflag:$0x4], $0x80, v23, vm0, $0xb8;
	[tilespmem:$0x18200] =	vst v63  }
0xc0: {  	s30 =	simm.s32 $0x1A00;
	s6 =	sadd.s32 $0x300, s3  }
0xc1: {  	[hbm4b:s6+s4] =	stream.indirect_vreg.scatter [tilespmem:s30], [sflag:$0x4], $0x80, v23, vm0, $0xb8;
	[tilespmem:$0x18200] =	vst v63  }
0xc2: {  	s29 =	simm.s32 $0x2200;
	s7 =	sadd.s32 $0x400, s3  }
0xc3: {  	[hbm4b:s7+s4] =	stream.indirect_vreg.scatter [tilespmem:s29], [sflag:$0x4], $0x80, v23, vm0, $0xb8;
	[tilespmem:$0x18200] =	vst v63  }
0xc4: {  	s28 =	simm.s32 $0x2A00;
	v24 =	vperm.xlane v25, v19;
	s8 =	sadd.s32 $0x500, s3  }
0xc5: {  	[hbm4b:s8+s4] =	stream.indirect_vreg.scatter [tilespmem:s28], [sflag:$0x4], $0x80, v23, vm0, $0xb8;
	[tilespmem:$0x18200] =	vst v63  }
0xc6: {  	s26 =	simm.s32 $0x3200;
	v24 =	vadd.s32 v18, v24;
	s10 =	sadd.s32 $0x600, s3  }
0xc7: {  	[hbm4b:s10+s4] =	stream.indirect_vreg.scatter [tilespmem:s26], [sflag:$0x4], $0x80, v23, vm0, $0xb8;
	[tilespmem:$0x18200] =	vst v63  }
0xc8: {  	s18 =	simm.s32 $0x3A00;
	s12 =	sadd.s32 $0x700, s3  }
0xc9: {  	[hbm4b:s12+s4] =	stream.indirect_vreg.scatter [tilespmem:s18], [sflag:$0x4], $0x80, v23, vm0, $0xb8;
	[tilespmem:$0x18200] =	vst v63  }
0xca: {  	s2 =	simm.s32 $0x4200  }
0xcb: {  	[hbm4b:s3+s4] =	stream.indirect_vreg.scatter [tilespmem:s2], [sflag:$0x4], $0x80, v24, vm0, $0xb8;
	[tilespmem:$0x18200] =	vst v63  }
0xcc: {  	s25 =	simm.s32 $0x4A00  }
0xcd: {  	[hbm4b:s1+s4] =	stream.indirect_vreg.scatter [tilespmem:s25], [sflag:$0x4], $0x80, v24, vm0, $0xb8;
	[tilespmem:$0x18200] =	vst v63  }
0xce: {  	s9 =	simm.s32 $0x5200  }
0xcf: {  	[hbm4b:s5+s4] =	stream.indirect_vreg.scatter [tilespmem:s9], [sflag:$0x4], $0x80, v24, vm0, $0xb8;
	[tilespmem:$0x18200] =	vst v63  }
0xd0: {  	s14 =	simm.s32 $0x5A00  }
0xd1: {  	[hbm4b:s6+s4] =	stream.indirect_vreg.scatter [tilespmem:s14], [sflag:$0x4], $0x80, v24, vm0, $0xb8;
	[tilespmem:$0x18200] =	vst v63  }
0xd2: {  	s16 =	simm.s32 $0x6200  }
0xd3: {  	v25 =	vor.u32 $0x30000, v16;
	[hbm4b:s7+s4] =	stream.indirect_vreg.scatter [tilespmem:s16], [sflag:$0x4], $0x80, v24, vm0, $0xb8;
	[tilespmem:$0x18200] =	vst v63  }
0xd4: {  	s20 =	simm.s32 $0x6A00;
	v27 =	vadd.s32 v25, v27  }
0xd5: {  	v27 =	vand.u32 $0xFFFFFF80, v27;
	[hbm4b:s8+s4] =	stream.indirect_vreg.scatter [tilespmem:s20], [sflag:$0x4], $0x80, v24, vm0, $0xb8;
	[tilespmem:$0x18200] =	vst v63  }
0xd6: {  	s22 =	simm.s32 $0x7200;
	v26 =	vor.u32 v26, v27  }
0xd7: {  	v27 =	vperm.xlane v26, v17;
	[hbm4b:s10+s4] =	stream.indirect_vreg.scatter [tilespmem:s22], [sflag:$0x4], $0x80, v24, vm0, $0xb8;
	[tilespmem:$0x18200] =	vst v63  }
0xd8: {  	s23 =	simm.s32 $0x7A00;
	s24 =	simm.s32 $0x4  }
0xd9: {  	v27 =	vadd.s32 v18, v27;
	[hbm4b:s12+s4] =	stream.indirect_vreg.scatter [tilespmem:s23], [sflag:$0x4], $0x80, v24, vm0, $0xb8;
	[tilespmem:$0x18200] =	vst v63  }
0xda: {  	_ =	swait.ge [sflag:s24], $0x8000  }
0xdb: {  	[sflag:s24] =	ssyncset.done $0x0  }
0xdc: {  	[sflag:s24] =	ssyncadd.s32 $0xFFFF8000  }
0xdd: {  	s24 =	simm.s32 $0x200;
	s0 =	rddreg [dreg:$0x0]  }
0xde: {  	[tilespmem:s24], [sflag:$0x1] =	stream.indirect_vreg.gather [hbm4b:s0+s4], $0x80, v27, vm0, $0xb8;
	[tilespmem:$0x18200] =	vst v63  }
0xdf: {  	s24 =	simm.s32 $0xA00  }
0xe0: {  	[tilespmem:s24], [sflag:$0x1] =	stream.indirect_vreg.gather [hbm4b:s11+s4], $0x80, v27, vm0, $0xb8;
	[tilespmem:$0x18200] =	vst v63  }
0xe1: {  	s24 =	simm.s32 $0x1200  }
0xe2: {  	[tilespmem:s24], [sflag:$0x1] =	stream.indirect_vreg.gather [hbm4b:s13+s4], $0x80, v27, vm0, $0xb8;
	[tilespmem:$0x18200] =	vst v63  }
0xe3: {  	_ = 	snop  }
0xe4: {  	[tilespmem:s30], [sflag:$0x1] =	stream.indirect_vreg.gather [hbm4b:s15+s4], $0x80, v27, vm0, $0xb8;
	[tilespmem:$0x18200] =	vst v63  }
0xe5: {  	_ = 	snop  }
0xe6: {  	[tilespmem:s29], [sflag:$0x1] =	stream.indirect_vreg.gather [hbm4b:s17+s4], $0x80, v27, vm0, $0xb8;
	[tilespmem:$0x18200] =	vst v63  }
0xe7: {  	v26 =	vperm.xlane v26, v19  }
0xe8: {  	[tilespmem:s28], [sflag:$0x1] =	stream.indirect_vreg.gather [hbm4b:s19+s4], $0x80, v27, vm0, $0xb8;
	[tilespmem:$0x18200] =	vst v63  }
0xe9: {  	v28 =	vadd.s32 v18, v26  }
0xea: {  	[tilespmem:s26], [sflag:$0x1] =	stream.indirect_vreg.gather [hbm4b:s21+s4], $0x80, v27, vm0, $0xb8;
	[tilespmem:$0x18200] =	vst v63  }
0xeb: {  	_ = 	snop  }
0xec: {  	[tilespmem:s18], [sflag:$0x1] =	stream.indirect_vreg.gather [hbm4b:s31+s4], $0x80, v27, vm0, $0xb8;
	[tilespmem:$0x18200] =	vst v63  }
0xed: {  	_ = 	snop  }
0xee: {  	[tilespmem:s2], [sflag:$0x1] =	stream.indirect_vreg.gather [hbm4b:s0+s4], $0x80, v28, vm0, $0xb8;
	[tilespmem:$0x18200] =	vst v63  }
0xef: {  	[dreg:$0x9] =	wrdreg s11  }
0xf0: {  	[tilespmem:s25], [sflag:$0x1] =	stream.indirect_vreg.gather [hbm4b:s11+s4], $0x80, v28, vm0, $0xb8;
	[tilespmem:$0x18200] =	vst v63  }
0xf1: {  	[dreg:$0xa] =	wrdreg s13  }
0xf2: {  	[tilespmem:s9], [sflag:$0x1] =	stream.indirect_vreg.gather [hbm4b:s13+s4], $0x80, v28, vm0, $0xb8;
	[tilespmem:$0x18200] =	vst v63  }
0xf3: {  	[dreg:$0xb] =	wrdreg s15  }
0xf4: {  	[tilespmem:s14], [sflag:$0x1] =	stream.indirect_vreg.gather [hbm4b:s15+s4], $0x80, v28, vm0, $0xb8;
	[tilespmem:$0x18200] =	vst v63  }
0xf5: {  	v26 =	vor.u32 $0x2000, v30;
	[dreg:$0xc] =	wrdreg s17  }
0xf6: {  	v26 =	vor.u32 v26, v31;
	[tilespmem:s16], [sflag:$0x1] =	stream.indirect_vreg.gather [hbm4b:s17+s4], $0x80, v28, vm0, $0xb8;
	[tilespmem:$0x18200] =	vst v63  }
0xf7: {  	v26 =	vand.u32 $0x7FFFFF80, v26;
	[dreg:$0xd] =	wrdreg s19  }
0xf8: {  	v27 =	vor.u32 v32, v26;
	[tilespmem:s20], [sflag:$0x1] =	stream.indirect_vreg.gather [hbm4b:s19+s4], $0x80, v28, vm0, $0xb8;
	[tilespmem:$0x18200] =	vst v63  }
0xf9: {  	[dreg:$0xe] =	wrdreg s21;
	v26 =	vperm.xlane v27, v17  }
0xfa: {  	[tilespmem:s22], [sflag:$0x1] =	stream.indirect_vreg.gather [hbm4b:s21+s4], $0x80, v28, vm0, $0xb8;
	[tilespmem:$0x18200] =	vst v63  }
0xfb: {  	[dreg:$0xf] =	wrdreg s31;
	v26 =	vadd.s32 v18, v26;
	s15 =	simm.s32 $0x2  }
0xfc: {  	[tilespmem:s23], [sflag:$0x1] =	stream.indirect_vreg.gather [hbm4b:s31+s4], $0x80, v28, vm0, $0xb8;
	[tilespmem:$0x18200] =	vst v63  }
0xfd: {  	_ =	swait.ge [sflag:s15], $0x8000  }
0xfe: {  	[sflag:s15] =	ssyncset.done $0x0  }
0xff: {  	s16 =	simm.s32 $0x8200;
	[sflag:s15] =	ssyncadd.s32 $0xFFFF8000  }
0x100: {  	[hbm4b:s3+s4] =	stream.indirect_vreg.scatter [tilespmem:s16], [sflag:$0x5], $0x80, v26, vm0, $0xb8;
	[tilespmem:$0x18200] =	vst v63  }
0x101: {  	s17 =	simm.s32 $0x8A00  }
0x102: {  	[hbm4b:s1+s4] =	stream.indirect_vreg.scatter [tilespmem:s17], [sflag:$0x5], $0x80, v26, vm0, $0xb8;
	[tilespmem:$0x18200] =	vst v63  }
0x103: {  	s19 =	simm.s32 $0x9200  }
0x104: {  	[hbm4b:s5+s4] =	stream.indirect_vreg.scatter [tilespmem:s19], [sflag:$0x5], $0x80, v26, vm0, $0xb8;
	[tilespmem:$0x18200] =	vst v63  }
0x105: {  	s20 =	simm.s32 $0x9A00  }
0x106: {  	[hbm4b:s6+s4] =	stream.indirect_vreg.scatter [tilespmem:s20], [sflag:$0x5], $0x80, v26, vm0, $0xb8;
	[tilespmem:$0x18200] =	vst v63  }
0x107: {  	s21 =	simm.s32 $0xA200  }
0x108: {  	[hbm4b:s7+s4] =	stream.indirect_vreg.scatter [tilespmem:s21], [sflag:$0x5], $0x80, v26, vm0, $0xb8;
	[tilespmem:$0x18200] =	vst v63  }
0x109: {  	v27 =	vperm.xlane v27, v19;
	s22 =	simm.s32 $0xAA00  }
0x10a: {  	[hbm4b:s8+s4] =	stream.indirect_vreg.scatter [tilespmem:s22], [sflag:$0x5], $0x80, v26, vm0, $0xb8;
	[tilespmem:$0x18200] =	vst v63  }
0x10b: {  	v27 =	vadd.s32 v18, v27;
	s23 =	simm.s32 $0xB200  }
0x10c: {  	[hbm4b:s10+s4] =	stream.indirect_vreg.scatter [tilespmem:s23], [sflag:$0x5], $0x80, v26, vm0, $0xb8;
	[tilespmem:$0x18200] =	vst v63  }
0x10d: {  	s25 =	simm.s32 $0xBA00  }
0x10e: {  	[hbm4b:s12+s4] =	stream.indirect_vreg.scatter [tilespmem:s25], [sflag:$0x5], $0x80, v26, vm0, $0xb8;
	[tilespmem:$0x18200] =	vst v63  }
0x10f: {  	s28 =	simm.s32 $0xC200  }
0x110: {  	[hbm4b:s3+s4] =	stream.indirect_vreg.scatter [tilespmem:s28], [sflag:$0x5], $0x80, v27, vm0, $0xb8;
	[tilespmem:$0x18200] =	vst v63  }
0x111: {  	s31 =	simm.s32 $0xCA00  }
0x112: {  	[hbm4b:s1+s4] =	stream.indirect_vreg.scatter [tilespmem:s31], [sflag:$0x5], $0x80, v27, vm0, $0xb8;
	[tilespmem:$0x18200] =	vst v63  }
0x113: {  	s16 =	simm.s32 $0xD200  }
0x114: {  	[hbm4b:s5+s4] =	stream.indirect_vreg.scatter [tilespmem:s16], [sflag:$0x5], $0x80, v27, vm0, $0xb8;
	[tilespmem:$0x18200] =	vst v63  }
0x115: {  	s17 =	simm.s32 $0xDA00  }
0x116: {  	[hbm4b:s6+s4] =	stream.indirect_vreg.scatter [tilespmem:s17], [sflag:$0x5], $0x80, v27, vm0, $0xb8;
	[tilespmem:$0x18200] =	vst v63  }
0x117: {  	v28 =	vor.u32 $0x4000, v30;
	s19 =	simm.s32 $0xE200  }
0x118: {  	v28 =	vor.u32 v28, v31;
	[hbm4b:s7+s4] =	stream.indirect_vreg.scatter [tilespmem:s19], [sflag:$0x5], $0x80, v27, vm0, $0xb8;
	[tilespmem:$0x18200] =	vst v63  }
0x119: {  	v28 =	vand.u32 $0x7FFFFF80, v28;
	s20 =	simm.s32 $0xEA00  }
0x11a: {  	v29 =	vor.u32 v32, v28;
	[hbm4b:s8+s4] =	stream.indirect_vreg.scatter [tilespmem:s20], [sflag:$0x5], $0x80, v27, vm0, $0xb8;
	[tilespmem:$0x18200] =	vst v63  }
0x11b: {  	v28 =	vperm.xlane v29, v17;
	s21 =	simm.s32 $0xF200  }
0x11c: {  	[hbm4b:s10+s4] =	stream.indirect_vreg.scatter [tilespmem:s21], [sflag:$0x5], $0x80, v27, vm0, $0xb8;
	[tilespmem:$0x18200] =	vst v63  }
0x11d: {  	v28 =	vadd.s32 v18, v28;
	s22 =	simm.s32 $0xFA00;
	s23 =	simm.s32 $0x3  }
0x11e: {  	[hbm4b:s12+s4] =	stream.indirect_vreg.scatter [tilespmem:s22], [sflag:$0x5], $0x80, v27, vm0, $0xb8;
	[tilespmem:$0x18200] =	vst v63  }
0x11f: {  	_ =	swait.ge [sflag:s23], $0x8000  }
0x120: {  	[sflag:s23] =	ssyncset.done $0x0  }
0x121: {  	s25 =	simm.s32 $0x10200;
	[sflag:s23] =	ssyncadd.s32 $0xFFFF8000  }
0x122: {  	[hbm4b:s3+s4] =	stream.indirect_vreg.scatter [tilespmem:s25], [sflag:$0x6], $0x80, v28, vm0, $0xb8;
	[tilespmem:$0x18200] =	vst v63  }
0x123: {  	s28 =	simm.s32 $0x10A00  }
0x124: {  	[hbm4b:s1+s4] =	stream.indirect_vreg.scatter [tilespmem:s28], [sflag:$0x6], $0x80, v28, vm0, $0xb8;
	[tilespmem:$0x18200] =	vst v63  }
0x125: {  	s31 =	simm.s32 $0x11200  }
0x126: {  	[hbm4b:s5+s4] =	stream.indirect_vreg.scatter [tilespmem:s31], [sflag:$0x6], $0x80, v28, vm0, $0xb8;
	[tilespmem:$0x18200] =	vst v63  }
0x127: {  	s16 =	simm.s32 $0x11A00  }
0x128: {  	[hbm4b:s6+s4] =	stream.indirect_vreg.scatter [tilespmem:s16], [sflag:$0x6], $0x80, v28, vm0, $0xb8;
	[tilespmem:$0x18200] =	vst v63  }
0x129: {  	s17 =	simm.s32 $0x12200  }
0x12a: {  	[hbm4b:s7+s4] =	stream.indirect_vreg.scatter [tilespmem:s17], [sflag:$0x6], $0x80, v28, vm0, $0xb8;
	[tilespmem:$0x18200] =	vst v63  }
0x12b: {  	v29 =	vperm.xlane v29, v19;
	s19 =	simm.s32 $0x12A00  }
0x12c: {  	[hbm4b:s8+s4] =	stream.indirect_vreg.scatter [tilespmem:s19], [sflag:$0x6], $0x80, v28, vm0, $0xb8;
	[tilespmem:$0x18200] =	vst v63  }
0x12d: {  	v29 =	vadd.s32 v18, v29;
	s20 =	simm.s32 $0x13200  }
0x12e: {  	[hbm4b:s10+s4] =	stream.indirect_vreg.scatter [tilespmem:s20], [sflag:$0x6], $0x80, v28, vm0, $0xb8;
	[tilespmem:$0x18200] =	vst v63  }
0x12f: {  	s21 =	simm.s32 $0x13A00  }
0x130: {  	[hbm4b:s12+s4] =	stream.indirect_vreg.scatter [tilespmem:s21], [sflag:$0x6], $0x80, v28, vm0, $0xb8;
	[tilespmem:$0x18200] =	vst v63  }
0x131: {  	s22 =	simm.s32 $0x14200  }
0x132: {  	[hbm4b:s3+s4] =	stream.indirect_vreg.scatter [tilespmem:s22], [sflag:$0x6], $0x80, v29, vm0, $0xb8;
	[tilespmem:$0x18200] =	vst v63  }
0x133: {  	s23 =	simm.s32 $0x14A00  }
0x134: {  	[hbm4b:s1+s4] =	stream.indirect_vreg.scatter [tilespmem:s23], [sflag:$0x6], $0x80, v29, vm0, $0xb8;
	[tilespmem:$0x18200] =	vst v63  }
0x135: {  	s25 =	simm.s32 $0x15200  }
0x136: {  	[hbm4b:s5+s4] =	stream.indirect_vreg.scatter [tilespmem:s25], [sflag:$0x6], $0x80, v29, vm0, $0xb8;
	[tilespmem:$0x18200] =	vst v63  }
0x137: {  	s28 =	simm.s32 $0x15A00  }
0x138: {  	[hbm4b:s6+s4] =	stream.indirect_vreg.scatter [tilespmem:s28], [sflag:$0x6], $0x80, v29, vm0, $0xb8;
	[tilespmem:$0x18200] =	vst v63  }
0x139: {  	v30 =	vor.u32 $0x6000, v30;
	s31 =	simm.s32 $0x16200  }
0x13a: {  	v30 =	vor.u32 v30, v31;
	[hbm4b:s7+s4] =	stream.indirect_vreg.scatter [tilespmem:s31], [sflag:$0x6], $0x80, v29, vm0, $0xb8;
	[tilespmem:$0x18200] =	vst v63  }
0x13b: {  	v30 =	vand.u32 $0x7FFFFF80, v30;
	s16 =	simm.s32 $0x16A00  }
0x13c: {  	v31 =	vor.u32 v32, v30;
	[hbm4b:s8+s4] =	stream.indirect_vreg.scatter [tilespmem:s16], [sflag:$0x6], $0x80, v29, vm0, $0xb8;
	[tilespmem:$0x18200] =	vst v63  }
0x13d: {  	v30 =	vperm.xlane v31, v17;
	s17 =	simm.s32 $0x17200  }
0x13e: {  	[hbm4b:s10+s4] =	stream.indirect_vreg.scatter [tilespmem:s17], [sflag:$0x6], $0x80, v29, vm0, $0xb8;
	[tilespmem:$0x18200] =	vst v63  }
0x13f: {  	v30 =	vadd.s32 v18, v30;
	s19 =	simm.s32 $0x17A00;
	s20 =	simm.s32 $0x1  }
0x140: {  	[hbm4b:s12+s4] =	stream.indirect_vreg.scatter [tilespmem:s19], [sflag:$0x6], $0x80, v29, vm0, $0xb8;
	[tilespmem:$0x18200] =	vst v63  }
0x141: {  	_ =	swait.ge [sflag:s20], $0x8000  }
0x142: {  	[sflag:s20] =	ssyncset.done $0x0  }
0x143: {  	s21 =	simm.s32 $0x200;
	[sflag:s20] =	ssyncadd.s32 $0xFFFF8000  }
0x144: {  	[hbm4b:s3+s4] =	stream.indirect_vreg.scatter [tilespmem:s21], [sflag:$0x4], $0x80, v30, vm0, $0xb8;
	[tilespmem:$0x18200] =	vst v63  }
0x145: {  	s22 =	simm.s32 $0xA00  }
0x146: {  	[hbm4b:s1+s4] =	stream.indirect_vreg.scatter [tilespmem:s22], [sflag:$0x4], $0x80, v30, vm0, $0xb8;
	[tilespmem:$0x18200] =	vst v63  }
0x147: {  	s23 =	simm.s32 $0x1200  }
0x148: {  	[hbm4b:s5+s4] =	stream.indirect_vreg.scatter [tilespmem:s23], [sflag:$0x4], $0x80, v30, vm0, $0xb8;
	[tilespmem:$0x18200] =	vst v63  }
0x149: {  	s25 =	simm.s32 $0x1A00  }
0x14a: {  	[hbm4b:s6+s4] =	stream.indirect_vreg.scatter [tilespmem:s25], [sflag:$0x4], $0x80, v30, vm0, $0xb8;
	[tilespmem:$0x18200] =	vst v63  }
0x14b: {  	s28 =	simm.s32 $0x2200  }
0x14c: {  	[hbm4b:s7+s4] =	stream.indirect_vreg.scatter [tilespmem:s28], [sflag:$0x4], $0x80, v30, vm0, $0xb8;
	[tilespmem:$0x18200] =	vst v63  }
0x14d: {  	s30 =	simm.s32 $0x2A00;
	v31 =	vperm.xlane v31, v19  }
0x14e: {  	[hbm4b:s8+s4] =	stream.indirect_vreg.scatter [tilespmem:s30], [sflag:$0x4], $0x80, v30, vm0, $0xb8;
	[tilespmem:$0x18200] =	vst v63  }
0x14f: {  	s29 =	simm.s32 $0x3200;
	v31 =	vadd.s32 v18, v31  }
0x150: {  	[hbm4b:s10+s4] =	stream.indirect_vreg.scatter [tilespmem:s29], [sflag:$0x4], $0x80, v30, vm0, $0xb8;
	[tilespmem:$0x18200] =	vst v63  }
0x151: {  	s26 =	simm.s32 $0x3A00  }
0x152: {  	[hbm4b:s12+s4] =	stream.indirect_vreg.scatter [tilespmem:s26], [sflag:$0x4], $0x80, v30, vm0, $0xb8;
	[tilespmem:$0x18200] =	vst v63  }
0x153: {  	s18 =	simm.s32 $0x4200  }
0x154: {  	[hbm4b:s3+s4] =	stream.indirect_vreg.scatter [tilespmem:s18], [sflag:$0x4], $0x80, v31, vm0, $0xb8;
	[tilespmem:$0x18200] =	vst v63  }
0x155: {  	s2 =	simm.s32 $0x4A00  }
0x156: {  	[hbm4b:s1+s4] =	stream.indirect_vreg.scatter [tilespmem:s2], [sflag:$0x4], $0x80, v31, vm0, $0xb8;
	[tilespmem:$0x18200] =	vst v63  }
0x157: {  	s0 =	simm.s32 $0x5200;
	s30 =	rddreg [dreg:$0x18]  }
0x158: {  	[hbm4b:s5+s4] =	stream.indirect_vreg.scatter [tilespmem:s0], [sflag:$0x4], $0x80, v31, vm0, $0xb8;
	[tilespmem:$0x18200] =	vst v63  }
0x159: {  	s0 =	ssub.s32 $0x2, s30  }
0x15a: {  	s9 =	simm.s32 $0x5A00;
	[dreg:$0x16] =	wrdreg s12;
	s31 =	sshrl.u32 s0, $0x1  }
0x15b: {  	[hbm4b:s6+s4] =	stream.indirect_vreg.scatter [tilespmem:s9], [sflag:$0x4], $0x80, v31, vm0, $0xb8;
	[tilespmem:$0x18200] =	vst v63  }
0x15c: {  	[dreg:$0x10] =	wrdreg s1;
	s0 =	ssub.s32 s0, s31  }
0x15d: {  	s11 =	simm.s32 $0x6200;
	[dreg:$0x11] =	wrdreg s5;
	s0 =	smax.u32 s0, $0x1  }
0x15e: {  	[hbm4b:s7+s4] =	stream.indirect_vreg.scatter [tilespmem:s11], [sflag:$0x4], $0x80, v31, vm0, $0xb8;
	[tilespmem:$0x18200] =	vst v63  }
0x15f: {  	[dreg:$0x12] =	wrdreg s6;
	p0 =	sne.s32 s0, $0x1  }
.Ltmp0:
0x160: {  	[dreg:$0x13] =	wrdreg s7;
	(pc) =	sbr.rel @!p0 .LBB2_3-.Ltmp0, $4  }
0x161: {  	s24 =	simm.s32 $0x7A00;
	s13 =	simm.s32 $0x6A00;
	[dreg:$0x14] =	wrdreg s8  }
0x162: {  	[hbm4b:s8+s4] =	stream.indirect_vreg.scatter [tilespmem:s13], [sflag:$0x4], $0x80, v31, vm0, $0xb8;
	[tilespmem:$0x18200] =	vst v63  }
0x163: {  	s14 =	simm.s32 $0x7200;
	[dreg:$0x15] =	wrdreg s10;
	s0 =	sadd.s32 $0xFFFFFFFF, s0  }
0x164: {  	[hbm4b:s10+s4] =	stream.indirect_vreg.scatter [tilespmem:s14], [sflag:$0x4], $0x80, v31, vm0, $0xb8;
	[tilespmem:$0x18200] =	vst v63  }
0x165: {  	s31 =	simm.s32 $0x4A00;
	s22 =	simm.s32 $0x5200  }
.LBB2_2:
0x166: {  	s20 =	sadd.s32 $0xFFFFFFFF, s0;
	s1 =	rddreg [dreg:$0x16]  }
0x167: {  	s21 =	simm.s32 $0x7A00;
	s23 =	simm.s32 $0x5;
	[dreg:$0x17] =	wrdreg s20  }
0x168: {  	[hbm4b:s1+s4] =	stream.indirect_vreg.scatter [tilespmem:s21], [sflag:$0x4], $0x80, v31, vm0, $0xb8;
	[tilespmem:$0x18200] =	vst v63  }
0x169: {  	_ =	swait.ge [sflag:s23], $0x8000  }
0x16a: {  	[sflag:s23] =	ssyncset.done $0x0  }
0x16b: {  	s24 =	simm.s32 $0x6;
	[sflag:s23] =	ssyncadd.s32 $0xFFFF8000  }
0x16c: {  	_ =	swait.ge [sflag:s24], $0x8000  }
0x16d: {  	[sflag:s24] =	ssyncset.done $0x0  }
0x16e: {  	s25 =	simm.s32 $0x4;
	[sflag:s24] =	ssyncadd.s32 $0xFFFF8000  }
0x16f: {  	_ =	swait.ge [sflag:s25], $0x8000  }
0x170: {  	[sflag:s25] =	ssyncset.done $0x0  }
0x171: {  	s26 =	simm.s32 $0x7;
	[sflag:s25] =	ssyncadd.s32 $0xFFFF8000  }
0x172: {  	_ =	swait.ge [sflag:s26], $0x100  }
0x173: {  	[sflag:s26] =	ssyncset.done $0x0  }
0x174: {  	[sflag:s26] =	ssyncadd.s32 $0xFFFFFF00  }
0x175: {  	_ =	swait.ge [sflag:s26], $0x100  }
0x176: {  	s5 =	simm.s32 $0x80;
	s6 =	simm.s32 $0x400;
	[sflag:s26] =	ssyncset.done $0x0  }
0x177: {  	s28 =	simm.s32 $0x8;
	s23 =	rddreg [dreg:$0x6];
	[sflag:s26] =	ssyncadd.s32 $0xFFFFFF00  }
0x178: {  	[tilespmem:s4], [sflag:$0x8] =	stream.strided.gather [hbm4b:s23+s5], $0x100, s6, s5, $0x38;
	[tilespmem:$0x18200] =	vst v63  }
0x179: {  	_ =	swait.ge [sflag:s28], $0x100  }
0x17a: {  	[sflag:s28] =	ssyncset.done $0x0  }
0x17b: {  	[sflag:s28] =	ssyncadd.s32 $0xFFFFFF00  }
0x17c: {  	v32 =	vld [tilespmem:$0x0]  }
0x17d: {  	v33 =	vld [tilespmem:$0x10];
	_ =	sdelay $0x1  }
0x17e: {  	v34 =	vld [tilespmem:$0x20];
	_ =	sdelay $0x1  }
0x17f: {  	v35 =	vld [tilespmem:$0x30]  }
0x180: {  	vm1 =	vgt.f32 v33, v32  }
0x181: {  	v43 =	vld [tilespmem:$0x40];
	v32 =	vsel vm1, v33, v32  }
0x182: {  	vm2 =	vgt.f32 v34, v32  }
0x183: {  	v44 =	vld [tilespmem:$0x50];
	v32 =	vsel vm2, v34, v32  }
0x184: {  	vm3 =	vgt.f32 v35, v32  }
0x185: {  	v45 =	vld [tilespmem:$0x60];
	v32 =	vsel vm3, v35, v32  }
0x186: {  	vm4 =	vgt.f32 v43, v32  }
0x187: {  	v46 =	vld [tilespmem:$0x70];
	v32 =	vsel vm4, v43, v32  }
0x188: {  	vm5 =	vgt.f32 v44, v32  }
0x189: {  	v47 =	vld [tilespmem:$0x80];
	v32 =	vsel vm5, v44, v32  }
0x18a: {  	vm6 =	vgt.f32 v45, v32  }
0x18b: {  	v48 =	vld [tilespmem:$0x90];
	v32 =	vsel vm6, v45, v32  }
0x18c: {  	vm7 =	vgt.f32 v46, v32  }
0x18d: {  	v49 =	vld [tilespmem:$0xA0];
	v32 =	vsel vm7, v46, v32  }
0x18e: {  	v36 =	vsel vm1, v1, v0;
	vm1 =	vgt.f32 v47, v32  }
0x18f: {  	v50 =	vld [tilespmem:$0xB0];
	v32 =	vsel vm1, v47, v32  }
0x190: {  	v36 =	vsel vm2, v2, v36;
	vm2 =	vgt.f32 v48, v32  }
0x191: {  	v51 =	vld [tilespmem:$0xC0];
	v36 =	vsel vm3, v3, v36;
	v32 =	vsel vm2, v48, v32  }
0x192: {  	v36 =	vsel vm4, v4, v36;
	vm3 =	vgt.f32 v49, v32  }
0x193: {  	v52 =	vld [tilespmem:$0xD0];
	v36 =	vsel vm5, v5, v36;
	v32 =	vsel vm3, v49, v32  }
0x194: {  	v36 =	vsel vm6, v6, v36;
	vm15 =	vgt.f32 v50, v32  }
0x195: {  	v53 =	vld [tilespmem:$0xE0];
	v36 =	vsel vm7, v7, v36;
	v32 =	vsel vm15, v50, v32  }
0x196: {  	v36 =	vsel vm1, v8, v36;
	vm1 =	vgt.f32 v51, v32  }
0x197: {  	v54 =	vld [tilespmem:$0xF0];
	v36 =	vsel vm2, v9, v36;
	v32 =	vsel vm1, v51, v32  }
0x198: {  	v36 =	vsel vm3, v10, v36;
	vm2 =	vgt.f32 v52, v32  }
0x199: {  	v36 =	vsel vm15, v11, v36;
	v32 =	vsel vm2, v52, v32  }
0x19a: {  	v36 =	vsel vm1, v12, v36;
	vm1 =	vgt.f32 v53, v32  }
0x19b: {  	v55 =	vsel vm2, v13, v36;
	v32 =	vsel vm1, v53, v32  }
0x19c: {  	v33 =	vsel vm1, v14, v55;
	vm1 =	vgt.f32 v54, v32  }
0x19d: {  	v32 =	vsel vm1, v54, v32;
	v33 =	vsel vm1, v15, v33  }
0x19e: {  	(xrf1) =	vsort.ascd.msk.f32 $0xffff, v32, v33;
	_ =	sdelay $0xd  }
0x19f: {  	v56, _, _ =	vpop (xrf1)  }
0x1a0: {  	v34 =	vbroadcast v56, $0xF;
	_ =	sdelay $0x1  }
0x1a1: {  	vm1 =	veq.f32 v32, v34  }
0x1a2: {  	v32 =	vnsel vm1, $0x100, v33  }
0x1a3: {  	v33 =	vxor.u32 $0x80000000, v32  }
0x1a4: {  	(xrf1) =	vsort.ascd.msk.u32 $0xffff, v33, v32;
	_ =	sdelay $0xd  }
0x1a5: {  	v32, _, _ =	vpop (xrf1)  }
0x1a6: {  	(v2sf) =	vpush v32, $0x0;
	_ =	sdelay $0xe  }
0x1a7: {  	s29 =	spop (v2sf)  }
0x1a8: {  	s23 =	sxor.u32 $0x80000000, s29  }
0x1a9: {  	v57 =	vmov s23  }
0x1aa: {  	v58 =	vshll.u32 v57, $0x4  }
0x1ab: {  	v60 =	vadd.s32 v16, v58  }
0x1ac: {  	v59 =	vand.u32 $0x7, v57;
	v34 =	vand.u32 $0xFFFFFF80, v60  }
0x1ad: {  	v34 =	vor.u32 v59, v34  }
0x1ae: {  	v37 =	vperm.xlane v34, v17;
	_ =	sdelay $0x1  }
0x1af: {  	v37 =	vadd.s32 v18, v37;
	_ =	sdelay $0x3  }
0x1b0: {  	s30 =	simm.s32 $0x200;
	s3 =	rddreg [dreg:$0x0]  }
0x1b1: {  	[tilespmem:s30], [sflag:$0x1] =	stream.indirect_vreg.gather [hbm4b:s3+s4], $0x80, v37, vm0, $0xb8;
	[tilespmem:$0x18200] =	vst v63  }
0x1b2: {  	s2 =	smov.u32 s1;
	s1 =	simm.s32 $0xA00;
	s11 =	rddreg [dreg:$0x9]  }
0x1b3: {  	[tilespmem:s1], [sflag:$0x1] =	stream.indirect_vreg.gather [hbm4b:s11+s4], $0x80, v37, vm0, $0xb8;
	[tilespmem:$0x18200] =	vst v63  }
0x1b4: {  	s7 =	simm.s32 $0x1200;
	s13 =	rddreg [dreg:$0xa]  }
0x1b5: {  	[tilespmem:s7], [sflag:$0x1] =	stream.indirect_vreg.gather [hbm4b:s13+s4], $0x80, v37, vm0, $0xb8;
	[tilespmem:$0x18200] =	vst v63  }
0x1b6: {  	s8 =	simm.s32 $0x1A00;
	s15 =	rddreg [dreg:$0xb]  }
0x1b7: {  	[tilespmem:s8], [sflag:$0x1] =	stream.indirect_vreg.gather [hbm4b:s15+s4], $0x80, v37, vm0, $0xb8;
	[tilespmem:$0x18200] =	vst v63  }
0x1b8: {  	s10 =	simm.s32 $0x2200;
	s17 =	rddreg [dreg:$0xc]  }
0x1b9: {  	[tilespmem:s10], [sflag:$0x1] =	stream.indirect_vreg.gather [hbm4b:s17+s4], $0x80, v37, vm0, $0xb8;
	[tilespmem:$0x18200] =	vst v63  }
0x1ba: {  	s12 =	simm.s32 $0x2A00;
	s19 =	rddreg [dreg:$0xd];
	v38 =	vperm.xlane v34, v19  }
0x1bb: {  	[tilespmem:s12], [sflag:$0x1] =	stream.indirect_vreg.gather [hbm4b:s19+s4], $0x80, v37, vm0, $0xb8;
	[tilespmem:$0x18200] =	vst v63  }
0x1bc: {  	s14 =	simm.s32 $0x3200;
	s21 =	rddreg [dreg:$0xe];
	v45 =	vadd.s32 v18, v38  }
0x1bd: {  	[tilespmem:s14], [sflag:$0x1] =	stream.indirect_vreg.gather [hbm4b:s21+s4], $0x80, v37, vm0, $0xb8;
	[tilespmem:$0x18200] =	vst v63  }
0x1be: {  	s16 =	simm.s32 $0x3A00;
	s1 =	rddreg [dreg:$0xf]  }
0x1bf: {  	[tilespmem:s16], [sflag:$0x1] =	stream.indirect_vreg.gather [hbm4b:s1+s4], $0x80, v37, vm0, $0xb8;
	[tilespmem:$0x18200] =	vst v63  }
0x1c0: {  	s18 =	simm.s32 $0x4200  }
0x1c1: {  	[tilespmem:s18], [sflag:$0x1] =	stream.indirect_vreg.gather [hbm4b:s3+s4], $0x80, v45, vm0, $0xb8;
	[tilespmem:$0x18200] =	vst v63  }
0x1c2: {  	s20 =	simm.s32 $0x4A00  }
0x1c3: {  	[tilespmem:s20], [sflag:$0x1] =	stream.indirect_vreg.gather [hbm4b:s11+s4], $0x80, v45, vm0, $0xb8;
	[tilespmem:$0x18200] =	vst v63  }
0x1c4: {  	s23 =	simm.s32 $0x5200  }
0x1c5: {  	[tilespmem:s23], [sflag:$0x1] =	stream.indirect_vreg.gather [hbm4b:s13+s4], $0x80, v45, vm0, $0xb8;
	[tilespmem:$0x18200] =	vst v63  }
0x1c6: {  	s24 =	simm.s32 $0x5A00  }
0x1c7: {  	v61 =	vadd.s32 v20, v58;
	[tilespmem:s24], [sflag:$0x1] =	stream.indirect_vreg.gather [hbm4b:s15+s4], $0x80, v45, vm0, $0xb8;
	[tilespmem:$0x18200] =	vst v63  }
0x1c8: {  	s25 =	simm.s32 $0x6200;
	v35 =	vand.u32 $0xFFFFFF80, v61  }
0x1c9: {  	v35 =	vor.u32 v59, v35;
	[tilespmem:s25], [sflag:$0x1] =	stream.indirect_vreg.gather [hbm4b:s17+s4], $0x80, v45, vm0, $0xb8;
	[tilespmem:$0x18200] =	vst v63  }
0x1ca: {  	s26 =	simm.s32 $0x6A00;
	v39 =	vperm.xlane v35, v17  }
0x1cb: {  	[tilespmem:s26], [sflag:$0x1] =	stream.indirect_vreg.gather [hbm4b:s19+s4], $0x80, v45, vm0, $0xb8;
	[tilespmem:$0x18200] =	vst v63  }
0x1cc: {  	s28 =	simm.s32 $0x7200;
	v46 =	vadd.s32 v18, v39  }
0x1cd: {  	[tilespmem:s28], [sflag:$0x1] =	stream.indirect_vreg.gather [hbm4b:s21+s4], $0x80, v45, vm0, $0xb8;
	[tilespmem:$0x18200] =	vst v63  }
0x1ce: {  	s9 =	simm.s32 $0x7A00  }
0x1cf: {  	[tilespmem:s9], [sflag:$0x1] =	stream.indirect_vreg.gather [hbm4b:s1+s4], $0x80, v45, vm0, $0xb8;
	[tilespmem:$0x18200] =	vst v63  }
0x1d0: {  	s29 =	simm.s32 $0x8200  }
0x1d1: {  	[tilespmem:s29], [sflag:$0x2] =	stream.indirect_vreg.gather [hbm4b:s3+s4], $0x80, v46, vm0, $0xb8;
	[tilespmem:$0x18200] =	vst v63  }
0x1d2: {  	s30 =	simm.s32 $0x8A00  }
0x1d3: {  	[tilespmem:s30], [sflag:$0x2] =	stream.indirect_vreg.gather [hbm4b:s11+s4], $0x80, v46, vm0, $0xb8;
	[tilespmem:$0x18200] =	vst v63  }
0x1d4: {  	s7 =	simm.s32 $0x9200  }
0x1d5: {  	[tilespmem:s7], [sflag:$0x2] =	stream.indirect_vreg.gather [hbm4b:s13+s4], $0x80, v46, vm0, $0xb8;
	[tilespmem:$0x18200] =	vst v63  }
0x1d6: {  	s8 =	simm.s32 $0x9A00  }
0x1d7: {  	[tilespmem:s8], [sflag:$0x2] =	stream.indirect_vreg.gather [hbm4b:s15+s4], $0x80, v46, vm0, $0xb8;
	[tilespmem:$0x18200] =	vst v63  }
0x1d8: {  	s9 =	simm.s32 $0xA200  }
0x1d9: {  	[tilespmem:s9], [sflag:$0x2] =	stream.indirect_vreg.gather [hbm4b:s17+s4], $0x80, v46, vm0, $0xb8;
	[tilespmem:$0x18200] =	vst v63  }
0x1da: {  	v40 =	vperm.xlane v35, v19;
	s10 =	simm.s32 $0xAA00  }
0x1db: {  	[tilespmem:s10], [sflag:$0x2] =	stream.indirect_vreg.gather [hbm4b:s19+s4], $0x80, v46, vm0, $0xb8;
	[tilespmem:$0x18200] =	vst v63  }
0x1dc: {  	v47 =	vadd.s32 v18, v40;
	s12 =	simm.s32 $0xB200  }
0x1dd: {  	[tilespmem:s12], [sflag:$0x2] =	stream.indirect_vreg.gather [hbm4b:s21+s4], $0x80, v46, vm0, $0xb8;
	[tilespmem:$0x18200] =	vst v63  }
0x1de: {  	s14 =	simm.s32 $0xBA00  }
0x1df: {  	[tilespmem:s14], [sflag:$0x2] =	stream.indirect_vreg.gather [hbm4b:s1+s4], $0x80, v46, vm0, $0xb8;
	[tilespmem:$0x18200] =	vst v63  }
0x1e0: {  	s16 =	simm.s32 $0xC200  }
0x1e1: {  	[tilespmem:s16], [sflag:$0x2] =	stream.indirect_vreg.gather [hbm4b:s3+s4], $0x80, v47, vm0, $0xb8;
	[tilespmem:$0x18200] =	vst v63  }
0x1e2: {  	s18 =	simm.s32 $0xCA00  }
0x1e3: {  	[tilespmem:s18], [sflag:$0x2] =	stream.indirect_vreg.gather [hbm4b:s11+s4], $0x80, v47, vm0, $0xb8;
	[tilespmem:$0x18200] =	vst v63  }
0x1e4: {  	s20 =	simm.s32 $0xD200  }
0x1e5: {  	[tilespmem:s20], [sflag:$0x2] =	stream.indirect_vreg.gather [hbm4b:s13+s4], $0x80, v47, vm0, $0xb8;
	[tilespmem:$0x18200] =	vst v63  }
0x1e6: {  	s23 =	simm.s32 $0xDA00  }
0x1e7: {  	[tilespmem:s23], [sflag:$0x2] =	stream.indirect_vreg.gather [hbm4b:s15+s4], $0x80, v47, vm0, $0xb8;
	[tilespmem:$0x18200] =	vst v63  }
0x1e8: {  	s24 =	simm.s32 $0xE200  }
0x1e9: {  	[tilespmem:s24], [sflag:$0x2] =	stream.indirect_vreg.gather [hbm4b:s17+s4], $0x80, v47, vm0, $0xb8;
	[tilespmem:$0x18200] =	vst v63  }
0x1ea: {  	s25 =	simm.s32 $0xEA00  }
0x1eb: {  	[tilespmem:s25], [sflag:$0x2] =	stream.indirect_vreg.gather [hbm4b:s19+s4], $0x80, v47, vm0, $0xb8;
	[tilespmem:$0x18200] =	vst v63  }
0x1ec: {  	v63 =	vimm.s32 $0x0;
	vm2 =	veq.s32 v57, v0;
	s26 =	simm.s32 $0xF200  }
0x1ed: {  	v35 =	vsel vm2, $0xFFFFFFFF, v63;
	[tilespmem:s26], [sflag:$0x2] =	stream.indirect_vreg.gather [hbm4b:s21+s4], $0x80, v47, vm0, $0xb8;
	[tilespmem:$0x18200] =	vst v63  }
0x1ee: {  	vm9 =	veq.s32 v57, v15;
	[tilespmem:$0x1FFF0] =	vst v35;
	s28 =	simm.s32 $0xFA00  }
0x1ef: {  	vm6 =	veq.s32 v57, v14;
	v48 =	vsel vm9, $0x3F800000, v21;
	[tilespmem:s28], [sflag:$0x2] =	stream.indirect_vreg.gather [hbm4b:s1+s4], $0x80, v47, vm0, $0xb8;
	[tilespmem:$0x18200] =	vst v63  }
0x1f0: {  	vm11 =	veq.s32 v57, v13;
	v49 =	vsel vm6, $0x3F800000, v21;
	[tilespmem:$0x1F0] =	vst v48  }
0x1f1: {  	vm12 =	veq.s32 v57, v12;
	v50 =	vsel vm11, $0x3F800000, v21;
	[tilespmem:$0x1E0] =	vst v49  }
0x1f2: {  	vm14 =	veq.s32 v57, v11;
	vm15 =	veq.s32 v57, v10;
	v51 =	vsel vm12, $0x3F800000, v21;
	[tilespmem:$0x1D0] =	vst v50  }
0x1f3: {  	vm10 =	veq.s32 v57, v8;
	vm1 =	veq.s32 v57, v9;
	v52 =	vsel vm14, $0x3F800000, v21;
	[tilespmem:$0x1C0] =	vst v51  }
0x1f4: {  	vm5 =	veq.s32 v57, v5;
	vm8 =	veq.s32 v57, v6;
	v53 =	vsel vm15, $0x3F800000, v21;
	[tilespmem:$0x1B0] =	vst v52  }
0x1f5: {  	vm13 =	veq.s32 v57, v7;
	vm3 =	veq.s32 v57, v3;
	v54 =	vsel vm1, $0x3F800000, v21;
	[tilespmem:$0x1A0] =	vst v53  }
0x1f6: {  	vm7 =	veq.s32 v57, v4;
	v62 =	vadd.s32 v22, v58;
	v55 =	vsel vm10, $0x3F800000, v21;
	[tilespmem:$0x190] =	vst v54  }
0x1f7: {  	vm4 =	veq.s32 v57, v2;
	v56 =	vsel vm13, $0x3F800000, v21;
	v34 =	vand.u32 $0xFFFFFF80, v62;
	v62 =	vld [tilespmem:$0x1FFF0];
	[tilespmem:$0x180] =	vst v55  }
0x1f8: {  	v33 =	vadd.s32 v25, v58;
	vm2 =	veq.s32 v57, v1;
	v57 =	vsel vm8, $0x3F800000, v21;
	[tilespmem:$0x170] =	vst v56  }
0x1f9: {  	v58 =	vsel vm5, $0x3F800000, v21;
	v43 =	vand.u32 $0xFFFFFF80, v33;
	[tilespmem:$0x160] =	vst v57  }
0x1fa: {  	v32 =	vor.u32 v59, v43;
	v41 =	vor.u32 v59, v34;
	v59 =	vsel vm7, $0x3F800000, v21;
	[tilespmem:$0x150] =	vst v58  }
0x1fb: {  	v60 =	vsel vm3, $0x3F800000, v21;
	[tilespmem:$0x140] =	vst v59  }
0x1fc: {  	v61 =	vsel vm4, $0x3F800000, v21;
	vm1 =	vnez.u8 v62;
	[tilespmem:$0x130] =	vst v60  }
0x1fd: {  	v42 =	vperm.xlane v41, v17;
	v37 =	vsel vm1, $0x3F800000, v21;
	[tilespmem:$0x120] =	vst v61  }
0x1fe: {  	v63 =	vsel vm2, $0x3F800000, v21;
	[tilespmem:$0x100] =	vst v37  }
0x1ff: {  	v35 =	vadd.s32 v18, v42;
	s29 =	rddreg [dreg:$0x7];
	s30 =	simm.s32 $0x100;
	[tilespmem:$0x110] =	vst v63  }
0x200: {  	[hbm4b:s29+s5] =	stream.strided.scatter [tilespmem:s30], [sflag:$0x7], $0x100, s6, s5, $0x38;
	[tilespmem:$0x18200] =	vst v63  }
0x201: {  	s24 =	rddreg [dreg:$0x8]  }
0x202: {  	[hbm4b:s24+s5] =	stream.strided.scatter [tilespmem:s30], [sflag:$0x7], $0x100, s6, s5, $0x38;
	[tilespmem:$0x18200] =	vst v63  }
0x203: {  	s6 =	simm.s32 $0x10200  }
0x204: {  	[tilespmem:s6], [sflag:$0x3] =	stream.indirect_vreg.gather [hbm4b:s3+s4], $0x80, v35, vm0, $0xb8;
	[tilespmem:$0x18200] =	vst v63  }
0x205: {  	s7 =	simm.s32 $0x10A00  }
0x206: {  	[tilespmem:s7], [sflag:$0x3] =	stream.indirect_vreg.gather [hbm4b:s11+s4], $0x80, v35, vm0, $0xb8;
	[tilespmem:$0x18200] =	vst v63  }
0x207: {  	s8 =	simm.s32 $0x11200  }
0x208: {  	[tilespmem:s8], [sflag:$0x3] =	stream.indirect_vreg.gather [hbm4b:s13+s4], $0x80, v35, vm0, $0xb8;
	[tilespmem:$0x18200] =	vst v63  }
0x209: {  	s9 =	simm.s32 $0x11A00  }
0x20a: {  	[tilespmem:s9], [sflag:$0x3] =	stream.indirect_vreg.gather [hbm4b:s15+s4], $0x80, v35, vm0, $0xb8;
	[tilespmem:$0x18200] =	vst v63  }
0x20b: {  	s10 =	simm.s32 $0x12200  }
0x20c: {  	[tilespmem:s10], [sflag:$0x3] =	stream.indirect_vreg.gather [hbm4b:s17+s4], $0x80, v35, vm0, $0xb8;
	[tilespmem:$0x18200] =	vst v63  }
0x20d: {  	v34 =	vperm.xlane v41, v19;
	s12 =	simm.s32 $0x12A00  }
0x20e: {  	[tilespmem:s12], [sflag:$0x3] =	stream.indirect_vreg.gather [hbm4b:s19+s4], $0x80, v35, vm0, $0xb8;
	[tilespmem:$0x18200] =	vst v63  }
0x20f: {  	v34 =	vadd.s32 v18, v34;
	s14 =	simm.s32 $0x13200  }
0x210: {  	[tilespmem:s14], [sflag:$0x3] =	stream.indirect_vreg.gather [hbm4b:s21+s4], $0x80, v35, vm0, $0xb8;
	[tilespmem:$0x18200] =	vst v63  }
0x211: {  	s16 =	simm.s32 $0x13A00  }
0x212: {  	[tilespmem:s16], [sflag:$0x3] =	stream.indirect_vreg.gather [hbm4b:s1+s4], $0x80, v35, vm0, $0xb8;
	[tilespmem:$0x18200] =	vst v63  }
0x213: {  	s18 =	simm.s32 $0x14200  }
0x214: {  	[tilespmem:s18], [sflag:$0x3] =	stream.indirect_vreg.gather [hbm4b:s3+s4], $0x80, v34, vm0, $0xb8;
	[tilespmem:$0x18200] =	vst v63  }
0x215: {  	s20 =	simm.s32 $0x14A00  }
0x216: {  	[tilespmem:s20], [sflag:$0x3] =	stream.indirect_vreg.gather [hbm4b:s11+s4], $0x80, v34, vm0, $0xb8;
	[tilespmem:$0x18200] =	vst v63  }
0x217: {  	s23 =	simm.s32 $0x15200  }
0x218: {  	[tilespmem:s23], [sflag:$0x3] =	stream.indirect_vreg.gather [hbm4b:s13+s4], $0x80, v34, vm0, $0xb8;
	[tilespmem:$0x18200] =	vst v63  }
0x219: {  	s24 =	simm.s32 $0x15A00  }
0x21a: {  	[tilespmem:s24], [sflag:$0x3] =	stream.indirect_vreg.gather [hbm4b:s15+s4], $0x80, v34, vm0, $0xb8;
	[tilespmem:$0x18200] =	vst v63  }
0x21b: {  	s25 =	simm.s32 $0x16200  }
0x21c: {  	[tilespmem:s25], [sflag:$0x3] =	stream.indirect_vreg.gather [hbm4b:s17+s4], $0x80, v34, vm0, $0xb8;
	[tilespmem:$0x18200] =	vst v63  }
0x21d: {  	s26 =	simm.s32 $0x16A00  }
0x21e: {  	[tilespmem:s26], [sflag:$0x3] =	stream.indirect_vreg.gather [hbm4b:s19+s4], $0x80, v34, vm0, $0xb8;
	[tilespmem:$0x18200] =	vst v63  }
0x21f: {  	s28 =	simm.s32 $0x17200  }
0x220: {  	[tilespmem:s28], [sflag:$0x3] =	stream.indirect_vreg.gather [hbm4b:s21+s4], $0x80, v34, vm0, $0xb8;
	[tilespmem:$0x18200] =	vst v63  }
0x221: {  	s29 =	simm.s32 $0x17A00;
	s30 =	simm.s32 $0x1  }
0x222: {  	[tilespmem:s29], [sflag:$0x3] =	stream.indirect_vreg.gather [hbm4b:s1+s4], $0x80, v34, vm0, $0xb8;
	[tilespmem:$0x18200] =	vst v63  }
0x223: {  	_ =	swait.ge [sflag:s30], $0x8000  }
0x224: {  	[sflag:s30] =	ssyncset.done $0x0  }
0x225: {  	[sflag:s30] =	ssyncadd.s32 $0xFFFF8000  }
0x226: {  	p0 =	sne.s32 s0, $0x1;
	s24 =	simm.s32 $0x200;
	s0 =	rddreg [dreg:$0x2]  }
0x227: {  	[hbm4b:s0+s4] =	stream.indirect_vreg.scatter [tilespmem:s24], [sflag:$0x4], $0x80, v23, vm0, $0xb8;
	[tilespmem:$0x18200] =	vst v63  }
0x228: {  	s14 =	simm.s32 $0xA00;
	s5 =	rddreg [dreg:$0x10]  }
0x229: {  	[hbm4b:s5+s4] =	stream.indirect_vreg.scatter [tilespmem:s14], [sflag:$0x4], $0x80, v23, vm0, $0xb8;
	[tilespmem:$0x18200] =	vst v63  }
0x22a: {  	s16 =	simm.s32 $0x1200;
	s6 =	rddreg [dreg:$0x11]  }
0x22b: {  	[hbm4b:s6+s4] =	stream.indirect_vreg.scatter [tilespmem:s16], [sflag:$0x4], $0x80, v23, vm0, $0xb8;
	[tilespmem:$0x18200] =	vst v63  }
0x22c: {  	s20 =	simm.s32 $0x1A00;
	s7 =	rddreg [dreg:$0x12]  }
0x22d: {  	[hbm4b:s7+s4] =	stream.indirect_vreg.scatter [tilespmem:s20], [sflag:$0x4], $0x80, v23, vm0, $0xb8;
	[tilespmem:$0x18200] =	vst v63  }
0x22e: {  	s25 =	simm.s32 $0x2200;
	s8 =	rddreg [dreg:$0x13]  }
0x22f: {  	[hbm4b:s8+s4] =	stream.indirect_vreg.scatter [tilespmem:s25], [sflag:$0x4], $0x80, v23, vm0, $0xb8;
	[tilespmem:$0x18200] =	vst v63  }
0x230: {  	s26 =	simm.s32 $0x2A00;
	s10 =	rddreg [dreg:$0x14]  }
0x231: {  	[hbm4b:s10+s4] =	stream.indirect_vreg.scatter [tilespmem:s26], [sflag:$0x4], $0x80, v23, vm0, $0xb8;
	[tilespmem:$0x18200] =	vst v63  }
0x232: {  	s28 =	simm.s32 $0x3200;
	s12 =	rddreg [dreg:$0x15]  }
0x233: {  	[hbm4b:s12+s4] =	stream.indirect_vreg.scatter [tilespmem:s28], [sflag:$0x4], $0x80, v23, vm0, $0xb8;
	[tilespmem:$0x18200] =	vst v63  }
0x234: {  	s29 =	simm.s32 $0x3A00  }
0x235: {  	[hbm4b:s2+s4] =	stream.indirect_vreg.scatter [tilespmem:s29], [sflag:$0x4], $0x80, v23, vm0, $0xb8;
	[tilespmem:$0x18200] =	vst v63  }
0x236: {  	s30 =	simm.s32 $0x4200  }
0x237: {  	[hbm4b:s0+s4] =	stream.indirect_vreg.scatter [tilespmem:s30], [sflag:$0x4], $0x80, v24, vm0, $0xb8;
	[tilespmem:$0x18200] =	vst v63  }
0x238: {  	_ = 	snop  }
0x239: {  	[hbm4b:s5+s4] =	stream.indirect_vreg.scatter [tilespmem:s31], [sflag:$0x4], $0x80, v24, vm0, $0xb8;
	[tilespmem:$0x18200] =	vst v63  }
0x23a: {  	_ = 	snop  }
0x23b: {  	[hbm4b:s6+s4] =	stream.indirect_vreg.scatter [tilespmem:s22], [sflag:$0x4], $0x80, v24, vm0, $0xb8;
	[tilespmem:$0x18200] =	vst v63  }
0x23c: {  	s3 =	smov.u32 s2;
	s2 =	simm.s32 $0x5A00  }
0x23d: {  	[hbm4b:s7+s4] =	stream.indirect_vreg.scatter [tilespmem:s2], [sflag:$0x4], $0x80, v24, vm0, $0xb8;
	[tilespmem:$0x18200] =	vst v63  }
0x23e: {  	s18 =	simm.s32 $0x6200  }
0x23f: {  	[hbm4b:s8+s4] =	stream.indirect_vreg.scatter [tilespmem:s18], [sflag:$0x4], $0x80, v24, vm0, $0xb8;
	[tilespmem:$0x18200] =	vst v63  }
0x240: {  	s23 =	simm.s32 $0x6A00  }
0x241: {  	[hbm4b:s10+s4] =	stream.indirect_vreg.scatter [tilespmem:s23], [sflag:$0x4], $0x80, v24, vm0, $0xb8;
	[tilespmem:$0x18200] =	vst v63  }
0x242: {  	s9 =	simm.s32 $0x7200  }
0x243: {  	v44 =	vperm.xlane v32, v17;
	[hbm4b:s12+s4] =	stream.indirect_vreg.scatter [tilespmem:s9], [sflag:$0x4], $0x80, v24, vm0, $0xb8;
	[tilespmem:$0x18200] =	vst v63  }
0x244: {  	s0 =	simm.s32 $0x4;
	s9 =	simm.s32 $0x7A00  }
0x245: {  	v33 =	vadd.s32 v18, v44;
	[hbm4b:s3+s4] =	stream.indirect_vreg.scatter [tilespmem:s9], [sflag:$0x4], $0x80, v24, vm0, $0xb8;
	[tilespmem:$0x18200] =	vst v63  }
0x246: {  	_ =	swait.ge [sflag:s0], $0x8000  }
0x247: {  	[sflag:s0] =	ssyncset.done $0x0;
	s0 =	simm.s32 $0x4  }
0x248: {  	[sflag:s0] =	ssyncadd.s32 $0xFFFF8000  }
0x249: {  	s0 =	rddreg [dreg:$0x0]  }
0x24a: {  	[tilespmem:s24], [sflag:$0x1] =	stream.indirect_vreg.gather [hbm4b:s0+s4], $0x80, v33, vm0, $0xb8;
	[tilespmem:$0x18200] =	vst v63  }
0x24b: {  	_ = 	snop  }
0x24c: {  	[tilespmem:s14], [sflag:$0x1] =	stream.indirect_vreg.gather [hbm4b:s11+s4], $0x80, v33, vm0, $0xb8;
	[tilespmem:$0x18200] =	vst v63  }
0x24d: {  	_ = 	snop  }
0x24e: {  	[tilespmem:s16], [sflag:$0x1] =	stream.indirect_vreg.gather [hbm4b:s13+s4], $0x80, v33, vm0, $0xb8;
	[tilespmem:$0x18200] =	vst v63  }
0x24f: {  	_ = 	snop  }
0x250: {  	[tilespmem:s20], [sflag:$0x1] =	stream.indirect_vreg.gather [hbm4b:s15+s4], $0x80, v33, vm0, $0xb8;
	[tilespmem:$0x18200] =	vst v63  }
0x251: {  	_ = 	snop  }
0x252: {  	[tilespmem:s25], [sflag:$0x1] =	stream.indirect_vreg.gather [hbm4b:s17+s4], $0x80, v33, vm0, $0xb8;
	[tilespmem:$0x18200] =	vst v63  }
0x253: {  	v32 =	vperm.xlane v32, v19  }
0x254: {  	[tilespmem:s26], [sflag:$0x1] =	stream.indirect_vreg.gather [hbm4b:s19+s4], $0x80, v33, vm0, $0xb8;
	[tilespmem:$0x18200] =	vst v63  }
0x255: {  	v32 =	vadd.s32 v18, v32  }
0x256: {  	[tilespmem:s28], [sflag:$0x1] =	stream.indirect_vreg.gather [hbm4b:s21+s4], $0x80, v33, vm0, $0xb8;
	[tilespmem:$0x18200] =	vst v63  }
0x257: {  	_ = 	snop  }
0x258: {  	[tilespmem:s29], [sflag:$0x1] =	stream.indirect_vreg.gather [hbm4b:s1+s4], $0x80, v33, vm0, $0xb8;
	[tilespmem:$0x18200] =	vst v63  }
0x259: {  	_ = 	snop  }
0x25a: {  	[tilespmem:s30], [sflag:$0x1] =	stream.indirect_vreg.gather [hbm4b:s0+s4], $0x80, v32, vm0, $0xb8;
	[tilespmem:$0x18200] =	vst v63  }
0x25b: {  	_ = 	snop  }
0x25c: {  	[tilespmem:s31], [sflag:$0x1] =	stream.indirect_vreg.gather [hbm4b:s11+s4], $0x80, v32, vm0, $0xb8;
	[tilespmem:$0x18200] =	vst v63  }
0x25d: {  	_ = 	snop  }
0x25e: {  	[tilespmem:s22], [sflag:$0x1] =	stream.indirect_vreg.gather [hbm4b:s13+s4], $0x80, v32, vm0, $0xb8;
	[tilespmem:$0x18200] =	vst v63  }
0x25f: {  	_ = 	snop  }
0x260: {  	[tilespmem:s2], [sflag:$0x1] =	stream.indirect_vreg.gather [hbm4b:s15+s4], $0x80, v32, vm0, $0xb8;
	[tilespmem:$0x18200] =	vst v63  }
0x261: {  	_ = 	snop  }
0x262: {  	[tilespmem:s18], [sflag:$0x1] =	stream.indirect_vreg.gather [hbm4b:s17+s4], $0x80, v32, vm0, $0xb8;
	[tilespmem:$0x18200] =	vst v63  }
0x263: {  	_ = 	snop  }
0x264: {  	[tilespmem:s23], [sflag:$0x1] =	stream.indirect_vreg.gather [hbm4b:s19+s4], $0x80, v32, vm0, $0xb8;
	[tilespmem:$0x18200] =	vst v63  }
0x265: {  	s2 =	simm.s32 $0x7200  }
0x266: {  	[tilespmem:s2], [sflag:$0x1] =	stream.indirect_vreg.gather [hbm4b:s21+s4], $0x80, v32, vm0, $0xb8;
	[tilespmem:$0x18200] =	vst v63  }
0x267: {  	_ = 	snop  }
0x268: {  	[tilespmem:s9], [sflag:$0x1] =	stream.indirect_vreg.gather [hbm4b:s1+s4], $0x80, v32, vm0, $0xb8;
	[tilespmem:$0x18200] =	vst v63  }
0x269: {  	s9 =	simm.s32 $0x2  }
0x26a: {  	_ =	swait.ge [sflag:s9], $0x8000  }
0x26b: {  	[sflag:s9] =	ssyncset.done $0x0  }
0x26c: {  	[sflag:s9] =	ssyncadd.s32 $0xFFFF8000  }
0x26d: {  	s19 =	simm.s32 $0x8200;
	s2 =	rddreg [dreg:$0x2]  }
0x26e: {  	[hbm4b:s2+s4] =	stream.indirect_vreg.scatter [tilespmem:s19], [sflag:$0x5], $0x80, v26, vm0, $0xb8;
	[tilespmem:$0x18200] =	vst v63  }
0x26f: {  	s21 =	simm.s32 $0x8A00  }
0x270: {  	[hbm4b:s5+s4] =	stream.indirect_vreg.scatter [tilespmem:s21], [sflag:$0x5], $0x80, v26, vm0, $0xb8;
	[tilespmem:$0x18200] =	vst v63  }
0x271: {  	s23 =	simm.s32 $0x9200  }
0x272: {  	[hbm4b:s6+s4] =	stream.indirect_vreg.scatter [tilespmem:s23], [sflag:$0x5], $0x80, v26, vm0, $0xb8;
	[tilespmem:$0x18200] =	vst v63  }
0x273: {  	s1 =	simm.s32 $0x9A00  }
0x274: {  	[hbm4b:s7+s4] =	stream.indirect_vreg.scatter [tilespmem:s1], [sflag:$0x5], $0x80, v26, vm0, $0xb8;
	[tilespmem:$0x18200] =	vst v63  }
0x275: {  	s9 =	simm.s32 $0xA200  }
0x276: {  	[hbm4b:s8+s4] =	stream.indirect_vreg.scatter [tilespmem:s9], [sflag:$0x5], $0x80, v26, vm0, $0xb8;
	[tilespmem:$0x18200] =	vst v63  }
0x277: {  	s19 =	simm.s32 $0xAA00  }
0x278: {  	[hbm4b:s10+s4] =	stream.indirect_vreg.scatter [tilespmem:s19], [sflag:$0x5], $0x80, v26, vm0, $0xb8;
	[tilespmem:$0x18200] =	vst v63  }
0x279: {  	s21 =	simm.s32 $0xB200  }
0x27a: {  	[hbm4b:s12+s4] =	stream.indirect_vreg.scatter [tilespmem:s21], [sflag:$0x5], $0x80, v26, vm0, $0xb8;
	[tilespmem:$0x18200] =	vst v63  }
0x27b: {  	s23 =	simm.s32 $0xBA00  }
0x27c: {  	[hbm4b:s3+s4] =	stream.indirect_vreg.scatter [tilespmem:s23], [sflag:$0x5], $0x80, v26, vm0, $0xb8;
	[tilespmem:$0x18200] =	vst v63  }
0x27d: {  	s9 =	simm.s32 $0xC200  }
0x27e: {  	[hbm4b:s2+s4] =	stream.indirect_vreg.scatter [tilespmem:s9], [sflag:$0x5], $0x80, v27, vm0, $0xb8;
	[tilespmem:$0x18200] =	vst v63  }
0x27f: {  	s19 =	simm.s32 $0xCA00  }
0x280: {  	[hbm4b:s5+s4] =	stream.indirect_vreg.scatter [tilespmem:s19], [sflag:$0x5], $0x80, v27, vm0, $0xb8;
	[tilespmem:$0x18200] =	vst v63  }
0x281: {  	s21 =	simm.s32 $0xD200  }
0x282: {  	[hbm4b:s6+s4] =	stream.indirect_vreg.scatter [tilespmem:s21], [sflag:$0x5], $0x80, v27, vm0, $0xb8;
	[tilespmem:$0x18200] =	vst v63  }
0x283: {  	s23 =	simm.s32 $0xDA00  }
0x284: {  	[hbm4b:s7+s4] =	stream.indirect_vreg.scatter [tilespmem:s23], [sflag:$0x5], $0x80, v27, vm0, $0xb8;
	[tilespmem:$0x18200] =	vst v63  }
0x285: {  	s0 =	smov.u32 s3;
	s3 =	smov.u32 s2;
	s2 =	simm.s32 $0xE200  }
0x286: {  	[hbm4b:s8+s4] =	stream.indirect_vreg.scatter [tilespmem:s2], [sflag:$0x5], $0x80, v27, vm0, $0xb8;
	[tilespmem:$0x18200] =	vst v63  }
0x287: {  	s9 =	simm.s32 $0xEA00  }
0x288: {  	[hbm4b:s10+s4] =	stream.indirect_vreg.scatter [tilespmem:s9], [sflag:$0x5], $0x80, v27, vm0, $0xb8;
	[tilespmem:$0x18200] =	vst v63  }
0x289: {  	s19 =	simm.s32 $0xF200  }
0x28a: {  	[hbm4b:s12+s4] =	stream.indirect_vreg.scatter [tilespmem:s19], [sflag:$0x5], $0x80, v27, vm0, $0xb8;
	[tilespmem:$0x18200] =	vst v63  }
0x28b: {  	s21 =	simm.s32 $0xFA00;
	s23 =	simm.s32 $0x3  }
0x28c: {  	[hbm4b:s0+s4] =	stream.indirect_vreg.scatter [tilespmem:s21], [sflag:$0x5], $0x80, v27, vm0, $0xb8;
	[tilespmem:$0x18200] =	vst v63  }
0x28d: {  	_ =	swait.ge [sflag:s23], $0x8000  }
0x28e: {  	[sflag:s23] =	ssyncset.done $0x0  }
0x28f: {  	s1 =	simm.s32 $0x10200;
	[sflag:s23] =	ssyncadd.s32 $0xFFFF8000  }
0x290: {  	[hbm4b:s3+s4] =	stream.indirect_vreg.scatter [tilespmem:s1], [sflag:$0x6], $0x80, v28, vm0, $0xb8;
	[tilespmem:$0x18200] =	vst v63  }
0x291: {  	s9 =	simm.s32 $0x10A00  }
0x292: {  	[hbm4b:s5+s4] =	stream.indirect_vreg.scatter [tilespmem:s9], [sflag:$0x6], $0x80, v28, vm0, $0xb8;
	[tilespmem:$0x18200] =	vst v63  }
0x293: {  	s19 =	simm.s32 $0x11200  }
0x294: {  	[hbm4b:s6+s4] =	stream.indirect_vreg.scatter [tilespmem:s19], [sflag:$0x6], $0x80, v28, vm0, $0xb8;
	[tilespmem:$0x18200] =	vst v63  }
0x295: {  	s21 =	simm.s32 $0x11A00  }
0x296: {  	[hbm4b:s7+s4] =	stream.indirect_vreg.scatter [tilespmem:s21], [sflag:$0x6], $0x80, v28, vm0, $0xb8;
	[tilespmem:$0x18200] =	vst v63  }
0x297: {  	s23 =	simm.s32 $0x12200  }
0x298: {  	[hbm4b:s8+s4] =	stream.indirect_vreg.scatter [tilespmem:s23], [sflag:$0x6], $0x80, v28, vm0, $0xb8;
	[tilespmem:$0x18200] =	vst v63  }
0x299: {  	s1 =	simm.s32 $0x12A00  }
0x29a: {  	[hbm4b:s10+s4] =	stream.indirect_vreg.scatter [tilespmem:s1], [sflag:$0x6], $0x80, v28, vm0, $0xb8;
	[tilespmem:$0x18200] =	vst v63  }
0x29b: {  	s9 =	simm.s32 $0x13200  }
0x29c: {  	[hbm4b:s12+s4] =	stream.indirect_vreg.scatter [tilespmem:s9], [sflag:$0x6], $0x80, v28, vm0, $0xb8;
	[tilespmem:$0x18200] =	vst v63  }
0x29d: {  	s19 =	simm.s32 $0x13A00  }
0x29e: {  	[hbm4b:s0+s4] =	stream.indirect_vreg.scatter [tilespmem:s19], [sflag:$0x6], $0x80, v28, vm0, $0xb8;
	[tilespmem:$0x18200] =	vst v63  }
0x29f: {  	s21 =	simm.s32 $0x14200  }
0x2a0: {  	[hbm4b:s3+s4] =	stream.indirect_vreg.scatter [tilespmem:s21], [sflag:$0x6], $0x80, v29, vm0, $0xb8;
	[tilespmem:$0x18200] =	vst v63  }
0x2a1: {  	s23 =	simm.s32 $0x14A00  }
0x2a2: {  	[hbm4b:s5+s4] =	stream.indirect_vreg.scatter [tilespmem:s23], [sflag:$0x6], $0x80, v29, vm0, $0xb8;
	[tilespmem:$0x18200] =	vst v63  }
0x2a3: {  	s2 =	smov.u32 s3;
	s3 =	simm.s32 $0x15200  }
0x2a4: {  	[hbm4b:s6+s4] =	stream.indirect_vreg.scatter [tilespmem:s3], [sflag:$0x6], $0x80, v29, vm0, $0xb8;
	[tilespmem:$0x18200] =	vst v63  }
0x2a5: {  	s9 =	simm.s32 $0x15A00  }
0x2a6: {  	[hbm4b:s7+s4] =	stream.indirect_vreg.scatter [tilespmem:s9], [sflag:$0x6], $0x80, v29, vm0, $0xb8;
	[tilespmem:$0x18200] =	vst v63  }
0x2a7: {  	s19 =	simm.s32 $0x16200  }
0x2a8: {  	[hbm4b:s8+s4] =	stream.indirect_vreg.scatter [tilespmem:s19], [sflag:$0x6], $0x80, v29, vm0, $0xb8;
	[tilespmem:$0x18200] =	vst v63  }
0x2a9: {  	s21 =	simm.s32 $0x16A00  }
0x2aa: {  	[hbm4b:s10+s4] =	stream.indirect_vreg.scatter [tilespmem:s21], [sflag:$0x6], $0x80, v29, vm0, $0xb8;
	[tilespmem:$0x18200] =	vst v63  }
0x2ab: {  	s23 =	simm.s32 $0x17200  }
0x2ac: {  	[hbm4b:s12+s4] =	stream.indirect_vreg.scatter [tilespmem:s23], [sflag:$0x6], $0x80, v29, vm0, $0xb8;
	[tilespmem:$0x18200] =	vst v63  }
0x2ad: {  	s3 =	simm.s32 $0x17A00;
	s9 =	simm.s32 $0x1  }
0x2ae: {  	[hbm4b:s0+s4] =	stream.indirect_vreg.scatter [tilespmem:s3], [sflag:$0x6], $0x80, v29, vm0, $0xb8;
	[tilespmem:$0x18200] =	vst v63  }
0x2af: {  	_ =	swait.ge [sflag:s9], $0x8000  }
0x2b0: {  	s19 =	simm.s32 $0x1;
	[sflag:s9] =	ssyncset.done $0x0  }
0x2b1: {  	s21 =	simm.s32 $0x200;
	[sflag:s19] =	ssyncadd.s32 $0xFFFF8000  }
0x2b2: {  	[hbm4b:s2+s4] =	stream.indirect_vreg.scatter [tilespmem:s21], [sflag:$0x4], $0x80, v30, vm0, $0xb8;
	[tilespmem:$0x18200] =	vst v63  }
0x2b3: {  	s23 =	simm.s32 $0xA00  }
0x2b4: {  	[hbm4b:s5+s4] =	stream.indirect_vreg.scatter [tilespmem:s23], [sflag:$0x4], $0x80, v30, vm0, $0xb8;
	[tilespmem:$0x18200] =	vst v63  }
0x2b5: {  	s14 =	simm.s32 $0x1200  }
0x2b6: {  	[hbm4b:s6+s4] =	stream.indirect_vreg.scatter [tilespmem:s14], [sflag:$0x4], $0x80, v30, vm0, $0xb8;
	[tilespmem:$0x18200] =	vst v63  }
0x2b7: {  	s16 =	simm.s32 $0x1A00  }
0x2b8: {  	[hbm4b:s7+s4] =	stream.indirect_vreg.scatter [tilespmem:s16], [sflag:$0x4], $0x80, v30, vm0, $0xb8;
	[tilespmem:$0x18200] =	vst v63  }
0x2b9: {  	s20 =	simm.s32 $0x2200  }
0x2ba: {  	[hbm4b:s8+s4] =	stream.indirect_vreg.scatter [tilespmem:s20], [sflag:$0x4], $0x80, v30, vm0, $0xb8;
	[tilespmem:$0x18200] =	vst v63  }
0x2bb: {  	s25 =	simm.s32 $0x2A00  }
0x2bc: {  	[hbm4b:s10+s4] =	stream.indirect_vreg.scatter [tilespmem:s25], [sflag:$0x4], $0x80, v30, vm0, $0xb8;
	[tilespmem:$0x18200] =	vst v63  }
0x2bd: {  	s26 =	simm.s32 $0x3200  }
0x2be: {  	[hbm4b:s12+s4] =	stream.indirect_vreg.scatter [tilespmem:s26], [sflag:$0x4], $0x80, v30, vm0, $0xb8;
	[tilespmem:$0x18200] =	vst v63  }
0x2bf: {  	s28 =	simm.s32 $0x3A00;
	s1 =	smov.u32 s0  }
0x2c0: {  	[hbm4b:s1+s4] =	stream.indirect_vreg.scatter [tilespmem:s28], [sflag:$0x4], $0x80, v30, vm0, $0xb8;
	[tilespmem:$0x18200] =	vst v63  }
0x2c1: {  	s30 =	simm.s32 $0x4200  }
0x2c2: {  	[hbm4b:s2+s4] =	stream.indirect_vreg.scatter [tilespmem:s30], [sflag:$0x4], $0x80, v31, vm0, $0xb8;
	[tilespmem:$0x18200] =	vst v63  }
0x2c3: {  	s29 =	simm.s32 $0x4A00  }
0x2c4: {  	[hbm4b:s5+s4] =	stream.indirect_vreg.scatter [tilespmem:s29], [sflag:$0x4], $0x80, v31, vm0, $0xb8;
	[tilespmem:$0x18200] =	vst v63  }
0x2c5: {  	s11 =	simm.s32 $0x5200  }
0x2c6: {  	[hbm4b:s6+s4] =	stream.indirect_vreg.scatter [tilespmem:s11], [sflag:$0x4], $0x80, v31, vm0, $0xb8;
	[tilespmem:$0x18200] =	vst v63  }
0x2c7: {  	s13 =	simm.s32 $0x5A00  }
0x2c8: {  	[hbm4b:s7+s4] =	stream.indirect_vreg.scatter [tilespmem:s13], [sflag:$0x4], $0x80, v31, vm0, $0xb8;
	[tilespmem:$0x18200] =	vst v63  }
0x2c9: {  	s15 =	simm.s32 $0x6200  }
0x2ca: {  	[hbm4b:s8+s4] =	stream.indirect_vreg.scatter [tilespmem:s15], [sflag:$0x4], $0x80, v31, vm0, $0xb8;
	[tilespmem:$0x18200] =	vst v63  }
.Ltmp1:
0x2cb: {  	_ = 	snop;
	(pc) =	sbr.rel @p0 .LBB2_2-.Ltmp1, $4  }
0x2cc: {  	s17 =	simm.s32 $0x6A00  }
0x2cd: {  	[hbm4b:s10+s4] =	stream.indirect_vreg.scatter [tilespmem:s17], [sflag:$0x4], $0x80, v31, vm0, $0xb8;
	[tilespmem:$0x18200] =	vst v63  }
0x2ce: {  	s24 =	simm.s32 $0x7A00;
	s18 =	simm.s32 $0x7200;
	s0 =	rddreg [dreg:$0x17]  }
0x2cf: {  	[hbm4b:s12+s4] =	stream.indirect_vreg.scatter [tilespmem:s18], [sflag:$0x4], $0x80, v31, vm0, $0xb8;
	[tilespmem:$0x18200] =	vst v63  }
.LBB2_3:
0x2d0: {  	_ =	sdelay $0x2  }
0x2d1: {  	s0 =	rddreg [dreg:$0x16];
	s26 =	simm.s32 $0x5  }
0x2d2: {  	[hbm4b:s0+s4] =	stream.indirect_vreg.scatter [tilespmem:s24], [sflag:$0x4], $0x80, v31, vm0, $0xb8;
	[tilespmem:$0x18200] =	vst v63  }
0x2d3: {  	_ =	swait.ge [sflag:s26], $0x8000  }
0x2d4: {  	[sflag:s26] =	ssyncset.done $0x0  }
0x2d5: {  	s28 =	simm.s32 $0x6;
	[sflag:s26] =	ssyncadd.s32 $0xFFFF8000  }
0x2d6: {  	_ =	swait.ge [sflag:s28], $0x8000  }
0x2d7: {  	[sflag:s28] =	ssyncset.done $0x0  }
0x2d8: {  	s29 =	simm.s32 $0x4;
	[sflag:s28] =	ssyncadd.s32 $0xFFFF8000  }
0x2d9: {  	_ =	swait.ge [sflag:s29], $0x8000  }
0x2da: {  	[sflag:s29] =	ssyncset.done $0x0  }
0x2db: {  	s30 =	simm.s32 $0x7;
	[sflag:s29] =	ssyncadd.s32 $0xFFFF8000  }
0x2dc: {  	_ =	swait.ge [sflag:s30], $0x100  }
0x2dd: {  	[sflag:s30] =	ssyncset.done $0x0  }
0x2de: {  	[sflag:s30] =	ssyncadd.s32 $0xFFFFFF00  }
0x2df: {  	_ =	swait.ge [sflag:s30], $0x100  }
0x2e0: {  	[sflag:s30] =	ssyncset.done $0x0  }
0x2e1: {  	[sflag:s30] =	ssyncadd.s32 $0xFFFFFF00  }
0x2e2: {  	_ =	sfence.sel $0x180000  }
0x2e3: {  	[bflag:$0x0] =	sbarrier.arrive $0xFFFF  }
0x2e4: {  	_ =	strace $0x90000047  }
0x2e5: {  	s31 =	stileid.u32;
	[bflag:$0x2] =	sbarrier.arrive $0xFFFF  }
0x2e6: {  	p0 =	sne.s32 s31, $0x0;
	s0 =	rddreg [dreg:$0x5]  }
0x2e7: {  	s0 =	sadd.s32 @!p0 $0x100000, s0  }
0x2e8: {  	[sflag:s0] =	ssyncadd.tile.s32 @!p0 $0x1;
	_ =	shalt  }
.Lfunc_end2:
_tile_overlayer_lowered:
.L_overlay_start_2:
0x2e9: {  	(tag) =	ssettag $0x2  }
0x2ea: {  	s0 =	rddreg [dreg:$0x0];
	s2 =	stileid.u32  }
0x2eb: {  	s1 =	rddreg [dreg:$0x1];
	p0 =	sne.s32 s2, $0x0  }
0x2ec: {  	s3 =	rddreg [dreg:$0x2];
	[bflag:$0x3] =	sbarrier.arrive $0xFFFF;
	s2 =	simm.s32 @!p0 $0x1C08  }
0x2ed: {  	[timem:s3], [sflag:s2] =	dma.local @!p0 [hbm:s0], s1  }
0x2ee: {  	s0 =	simm.s32 @!p0 $0x8  }
0x2ef: {  	_ =	swait.ge @!p0 [sflag:s0], s1  }
0x2f0: {  	s1 =	ssub.s32 @!p0 $0x0, s1;
	[sflag:s0] =	ssyncset.done @!p0 $0x0  }
0x2f1: {  	[sflag:s0] =	ssyncadd.s32 @!p0 s1  }
0x2f2: {  	[bflag:$0x3] =	sbarrier.arrive $0xFFFF  }
0x2f3: {  	_ =	shalt  }

</sc_bundles>
